<compile_context>
chip_gen: v7x
topology: tpu7x:2x2x1
jax: 0.10.2.dev20260603
libtpu: 0.0.44.dev20260713+nightly
codegen_flags: <defaults>
</compile_context>

<pallas_src>
import functools

import jax
import jax.numpy as jnp
from jax import lax
from jax.experimental import pallas as pl
from jax.experimental.pallas import tpu as pltpu
from jax.experimental.pallas import tpu_sc as plsc

N = 10000
NPAD = 10240
NC, NS = 2, 16
NW = NC * NS
K = 128
RPT = NPAD // NS


def _agg_body(F, y_hbm, srcs_hbm, dsts_hbm, out_hbm,
              src_v, dst_v, rows_v, zbuf, acc_sh, sem):
    chunks = srcs_hbm.shape[1]
    cid = lax.axis_index("c")
    sid = lax.axis_index("s")
    slab = cid * NS + sid

    groups = F // 16

    def zfill(i, _):
        r = i // groups
        g = i - r * groups
        zbuf[r, pl.ds(g * 16, 16)] = jnp.zeros((16,), jnp.float32)
        return 0

    lax.fori_loop(0, RPT * groups, zfill, 0)
    pltpu.sync_copy(zbuf, acc_sh.at[pl.ds(sid * RPT, RPT)])
    plsc.subcore_barrier()

    def chunk(ci, _):
        pltpu.sync_copy(srcs_hbm.at[slab, ci], src_v)
        pltpu.sync_copy(dsts_hbm.at[slab, ci], dst_v)
        pltpu.async_copy(y_hbm.at[src_v], rows_v, sem).wait()
        pltpu.sync_copy(rows_v, acc_sh.at[dst_v], add=True)
        return 0

    lax.fori_loop(0, chunks, chunk, 0)
    plsc.subcore_barrier()

    pltpu.sync_copy(acc_sh.at[pl.ds(sid * RPT, RPT)], zbuf)
    pltpu.sync_copy(zbuf, out_hbm.at[cid, pl.ds(sid * RPT, RPT)])


def _make_agg(F, chunks):
    mesh = plsc.VectorSubcoreMesh(core_axis_name="c", subcore_axis_name="s",
                                  num_cores=NC, num_subcores=NS)
    return pl.kernel(
        functools.partial(_agg_body, F),
        out_type=jax.ShapeDtypeStruct((NC, NPAD, F), jnp.float32),
        mesh=mesh,
        compiler_params=pltpu.CompilerParams(use_tc_tiling_on_sc=False),
        scratch_types=[
            pltpu.VMEM((K,), jnp.int32),
            pltpu.VMEM((K,), jnp.int32),
            pltpu.VMEM((K, F), jnp.float32),
            pltpu.VMEM((RPT, F), jnp.float32),
            pltpu.VMEM_SHARED((NPAD, F), jnp.float32),
            pltpu.SemaphoreType.DMA,
        ],
    )


def _hist_body(dsts_hbm, out_hbm, dst_v, ones_v, zbuf, acc_sh, sem):
    chunks = dsts_hbm.shape[1]
    cid = lax.axis_index("c")
    sid = lax.axis_index("s")
    slab = cid * NS + sid

    def ofill(i, _):
        ones_v[pl.ds(i * 16, 16)] = jnp.ones((16,), jnp.float32)
        return 0

    lax.fori_loop(0, K // 16, ofill, 0)

    def zfill(i, _):
        zbuf[pl.ds(i * 16, 16)] = jnp.zeros((16,), jnp.float32)
        return 0

    lax.fori_loop(0, RPT // 16, zfill, 0)
    pltpu.sync_copy(zbuf, acc_sh.at[pl.ds(sid * RPT, RPT)])
    plsc.subcore_barrier()

    def chunk(ci, _):
        pltpu.sync_copy(dsts_hbm.at[slab, ci], dst_v)
        pltpu.sync_copy(ones_v, acc_sh.at[dst_v], add=True)
        return 0

    lax.fori_loop(0, chunks, chunk, 0)
    plsc.subcore_barrier()

    pltpu.sync_copy(acc_sh.at[pl.ds(sid * RPT, RPT)], zbuf)
    pltpu.sync_copy(zbuf, out_hbm.at[cid, pl.ds(sid * RPT, RPT)])


def _make_hist(chunks):
    mesh = plsc.VectorSubcoreMesh(core_axis_name="c", subcore_axis_name="s",
                                  num_cores=NC, num_subcores=NS)
    return pl.kernel(
        _hist_body,
        out_type=jax.ShapeDtypeStruct((NC, NPAD), jnp.float32),
        mesh=mesh,
        compiler_params=pltpu.CompilerParams(use_tc_tiling_on_sc=False),
        scratch_types=[
            pltpu.VMEM((K,), jnp.int32),
            pltpu.VMEM((K,), jnp.float32),
            pltpu.VMEM((RPT,), jnp.float32),
            pltpu.VMEM_SHARED((NPAD,), jnp.float32),
            pltpu.SemaphoreType.DMA,
        ],
    )



_R = 1024


def _dis(dcol_ref):
    deg = dcol_ref[:, 0:1] + dcol_ref[:, 1:2] + 1.0
    return lax.rsqrt(deg)


def _tc_pre_body(x_ref, w_ref, dcol_ref, y_ref):
    dis = _dis(dcol_ref)
    y_ref[...] = jnp.dot(x_ref[...], w_ref[...],
                         preferred_element_type=jnp.float32) * dis


def _tc_pre(x, w, dcol):
    din = x.shape[1]
    fo = w.shape[1]
    grid = NPAD // _R
    return pl.pallas_call(
        _tc_pre_body,
        grid=(grid,),
        in_specs=[
            pl.BlockSpec((_R, din), lambda i: (i, 0)),
            pl.BlockSpec((din, fo), lambda i: (0, 0)),
            pl.BlockSpec((_R, 2), lambda i: (i, 0)),
        ],
        out_specs=pl.BlockSpec((_R, fo), lambda i: (i, 0)),
        out_shape=jax.ShapeDtypeStruct((NPAD, fo), jnp.float32),
    )(x, w, dcol)


def _tc_mid_body(acc_ref, yprev_ref, dcol_ref, w_ref, b_ref, out_ref):
    dis = _dis(dcol_ref)
    agg = acc_ref[0] + acc_ref[1] + yprev_ref[...]
    h = jnp.maximum(agg * dis + b_ref[...], 0.0)
    out_ref[...] = jnp.dot(h, w_ref[...],
                           preferred_element_type=jnp.float32) * dis


def _tc_mid(acc, yprev, dcol, w, b):
    fi = yprev.shape[1]
    fo = w.shape[1]
    grid = NPAD // _R
    return pl.pallas_call(
        _tc_mid_body,
        grid=(grid,),
        in_specs=[
            pl.BlockSpec((NC, _R, fi), lambda i: (0, i, 0)),
            pl.BlockSpec((_R, fi), lambda i: (i, 0)),
            pl.BlockSpec((_R, 2), lambda i: (i, 0)),
            pl.BlockSpec((fi, fo), lambda i: (0, 0)),
            pl.BlockSpec((1, fi), lambda i: (0, 0)),
        ],
        out_specs=pl.BlockSpec((_R, fo), lambda i: (i, 0)),
        out_shape=jax.ShapeDtypeStruct((NPAD, fo), jnp.float32),
    )(acc, yprev, dcol, w, b)


def _tc_post_body(acc_ref, yprev_ref, dcol_ref, b_ref, out_ref):
    dis = _dis(dcol_ref)
    agg = acc_ref[0] + acc_ref[1] + yprev_ref[...]
    out_ref[...] = agg * dis + b_ref[...]


def _tc_post(acc, yprev, dcol, b):
    fi = yprev.shape[1]
    grid = NPAD // _R
    return pl.pallas_call(
        _tc_post_body,
        grid=(grid,),
        in_specs=[
            pl.BlockSpec((NC, _R, fi), lambda i: (0, i, 0)),
            pl.BlockSpec((_R, fi), lambda i: (i, 0)),
            pl.BlockSpec((_R, 2), lambda i: (i, 0)),
            pl.BlockSpec((1, fi), lambda i: (0, 0)),
        ],
        out_specs=pl.BlockSpec((_R, fi), lambda i: (i, 0)),
        out_shape=jax.ShapeDtypeStruct((NPAD, fi), jnp.float32),
    )(acc, yprev, dcol, b)



def kernel(x, edge_index, W1, b1, W2, b2, W3, b3):
    E = edge_index.shape[1]
    epad = NW * K * (-(-E // (NW * K)))
    chunks = epad // (NW * K)

    ei = edge_index.astype(jnp.int32)
    npadrows = NPAD - N
    padv = N + (jnp.arange(epad - E, dtype=jnp.int32) % npadrows)
    src = jnp.concatenate([ei[0], padv]).reshape(NW, chunks, K)
    dst = jnp.concatenate([ei[1], padv]).reshape(NW, chunks, K)

    x_pad = jnp.pad(x, ((0, NPAD - N), (0, 0)))
    w3p = jnp.pad(W3, ((0, 0), (0, 6)))
    b3p = jnp.pad(b3, (0, 6))

    deg2 = _make_hist(chunks)(dst)
    dcol = jnp.transpose(deg2, (1, 0))

    y1 = _tc_pre(x_pad, W1, dcol)
    acc1 = _make_agg(32, chunks)(y1, src, dst)
    y2 = _tc_mid(acc1, y1, dcol, W2, b1.reshape(1, -1))
    acc2 = _make_agg(16, chunks)(y2, src, dst)
    y3 = _tc_mid(acc2, y2, dcol, w3p, b2.reshape(1, -1))
    acc3 = _make_agg(16, chunks)(y3, src, dst)
    out = _tc_post(acc3, y3, dcol, b3p.reshape(1, -1))
    return out[:N, :10]

# --- scband reference (transcript-rebuilt; emitter-appended) ---
"""Pipeline reference for scband-gnn-34282428957343 (READ-ONLY COPY).

The authoritative reference and input builder live on the scoring server;
editing this copy changes nothing except your own understanding.
"""

import jax, jax.numpy as jnp
import numpy as np

N_NODES = 10000

def gcn_conv(x, edge_index, W, b):
    N = x.shape[0]
    self_loops = jnp.arange(N, dtype=edge_index.dtype)
    src = jnp.concatenate([edge_index[0], self_loops])
    dst = jnp.concatenate([edge_index[1], self_loops])
    deg = jnp.zeros((N,), dtype=x.dtype).at[dst].add(1.0)
    deg_inv_sqrt = jnp.where(deg > 0, 1.0 / jnp.sqrt(deg), 0.0)
    norm = deg_inv_sqrt[src] * deg_inv_sqrt[dst]
    xw = x @ W
    msg = xw[src] * norm[:, None]
    out = jnp.zeros((N, W.shape[1]), dtype=x.dtype).at[dst].add(msg)
    return out + b

def setup_inputs(seed: int = 0) -> dict:
    key = jax.random.key(seed)
    k_x, k_e, k1, k2, k3 = jax.random.split(key, 5)
    x = jax.random.normal(k_x, (N_NODES, 256), dtype=jnp.float32)
    edge_index = jax.random.randint(k_e, (2, 160000), 0, N_NODES, dtype=jnp.int64)
    W1 = jax.random.normal(k1, (256, 32), dtype=jnp.float32) * (1.0 / np.sqrt(256))
    b1 = jnp.zeros((32,), dtype=jnp.float32)
    W2 = jax.random.normal(k2, (32, 16), dtype=jnp.float32) * (1.0 / np.sqrt(32))
    b2 = jnp.zeros((16,), dtype=jnp.float32)
    W3 = jax.random.normal(k3, (16, 10), dtype=jnp.float32) * (1.0 / np.sqrt(16))
    b3 = jnp.zeros((10,), dtype=jnp.float32)
    return {"x": x, "edge_index": edge_index, "W1": W1, "b1": b1, "W2": W2, "b2": b2, "W3": W3, "b3": b3}

def reference(x, edge_index, W1, b1, W2, b2, W3, b3):
    h = gcn_conv(x, edge_index, W1, b1)
    h = jax.nn.relu(h)
    h = gcn_conv(h, edge_index, W2, b2)
    h = jax.nn.relu(h)
    h = gcn_conv(h, edge_index, W3, b3)
    return h

if __name__ == "__main__":
    import jax
    _d = setup_inputs()
    print(jax.jit(kernel)(*tuple(_d.values())))

</pallas_src>

<mosaic_0001>
#map = affine_map<(d0, d1) -> (0, 0)>
#map1 = affine_map<(d0, d1) -> (0, 0, 0)>
module attributes {stable_mosaic.version = 14 : i64} {
  func.func @_agg_body(%arg0: i32, %arg1: i32, %arg2: memref<10240x16xf32, #tpu.memory_space<hbm>>, %arg3: memref<32x40x128xi32, #tpu.memory_space<hbm>>, %arg4: memref<32x40x128xi32, #tpu.memory_space<hbm>>, %arg5: memref<2x10240x16xf32, #tpu.memory_space<hbm>>, %arg6: memref<128xi32, #tpu.memory_space<vmem>>, %arg7: memref<128xi32, #tpu.memory_space<vmem>>, %arg8: memref<128x16xf32, #tpu.memory_space<vmem>>, %arg9: memref<640x16xf32, #tpu.memory_space<vmem>>, %arg10: memref<10240x16xf32, #tpu.memory_space<vmem_shared>>, %arg11: memref<!tpu.dma_semaphore, #tpu.memory_space<semaphore_mem>>) attributes {dimension_semantics = [#tpu.dimension_semantics<core_parallel>, #tpu.dimension_semantics<subcore_parallel>], iteration_bounds = array<i64: 2, 16>, scalar_prefetch = 0 : i64, scratch_operands = 6 : i64, tpu.core_type = #tpu.core_type<sc_vector_subcore>, window_params = [{transform_indices = #map}, {transform_indices = #map1}, {transform_indices = #map1}, {transform_indices = #map1}]} {
    %mul3A = arith.constant 16 : i32
    %mul3A_0 = arith.muli %arg0, %mul3A : i32
    %add3A = arith.addi %mul3A_0, %arg1 : i32
    %scan3A = arith.constant 0 : i32
    %scan3A_1 = arith.constant 0 : i32
    %scan3A_2 = arith.constant 640 : i32
    %scan3A_3 = arith.addi %scan3A_1, %scan3A_2 : i32
    %scan3A_4 = arith.constant 1 : i32
    %scan3A_5 = scf.for %scan3A_21 = %scan3A_1 to %scan3A_3 step %scan3A_4 iter_args(%scan3A_22 = %scan3A) -> (i32)  : i32 {
      %jit3A = arith.constant 1 : i32
      %div3A = arith.divsi %scan3A_21, %jit3A : i32
      %sign3A = arith.constant 0 : i32
      %sign3A_23 = arith.cmpi sgt, %scan3A_21, %sign3A : i32
      %sign3A_24 = arith.extui %sign3A_23 : i1 to i32
      %sign3A_25 = arith.constant 0 : i32
      %sign3A_26 = arith.cmpi slt, %scan3A_21, %sign3A_25 : i32
      %sign3A_27 = arith.extui %sign3A_26 : i1 to i32
      %sign3A_28 = arith.subi %sign3A_24, %sign3A_27 : i32
      %sign3A_29 = arith.constant 0 : i32
      %sign3A_30 = arith.cmpi sgt, %jit3A, %sign3A_29 : i32
      %sign3A_31 = arith.extui %sign3A_30 : i1 to i32
      %sign3A_32 = arith.constant 0 : i32
      %sign3A_33 = arith.cmpi slt, %jit3A, %sign3A_32 : i32
      %sign3A_34 = arith.extui %sign3A_33 : i1 to i32
      %sign3A_35 = arith.subi %sign3A_31, %sign3A_34 : i32
      %ne3A = arith.cmpi ne, %sign3A_28, %sign3A_35 : i32
      %rem3A = arith.remsi %scan3A_21, %jit3A : i32
      %ne3A_36 = arith.constant 0 : i32
      %ne3A_37 = arith.cmpi ne, %rem3A, %ne3A_36 : i32
      %and3A = arith.andi %ne3A, %ne3A_37 : i1
      %sub3A = arith.constant 1 : i32
      %sub3A_38 = arith.subi %div3A, %sub3A : i32
      %select_n3A = arith.select %and3A, %sub3A_38, %div3A : i32
      %mul3A_39 = arith.constant 1 : i32
      %mul3A_40 = arith.muli %select_n3A, %mul3A_39 : i32
      %sub3A_41 = arith.subi %scan3A_21, %mul3A_40 : i32
      %broadcast_in_dim3A = arith.constant 0.000000e+00 : f32
      %broadcast_in_dim3A_42 = vector.broadcast %broadcast_in_dim3A : f32 to vector<16xf32>
      %mul3A_43 = arith.constant 16 : i32
      %mul3A_44 = arith.muli %sub3A_41, %mul3A_43 : i32
      %swap3A = arith.index_cast %select_n3A : i32 to index
      %swap3A_45 = arith.index_cast %mul3A_44 : i32 to index
      %swap3A_46 = tpu.vector_load %arg9[%swap3A, %swap3A_45] {strides = array<i32>} : memref<640x16xf32, #tpu.memory_space<vmem>>, vector<1x16xf32>,
      %swap3A_47 = vector.shape_cast %swap3A_46 : vector<1x16xf32> to vector<16xf32>
      %swap3A_48 = vector.shape_cast %broadcast_in_dim3A_42 : vector<16xf32> to vector<1x16xf32>
      tpu.vector_store %arg9[%swap3A, %swap3A_45], %swap3A_48 {strides = array<i32>} : memref<640x16xf32, #tpu.memory_space<vmem>>, vector<1x16xf32>,
      %scan3A_49 = arith.constant 0 : i32
      scf.yield %scan3A_49 : i32
    }
    %scan3A_6 = arith.constant 640 : i32
    %mul3A_7 = arith.constant 640 : i32
    %mul3A_8 = arith.muli %arg1, %mul3A_7 : i32
    "tpu.region"() ({
      %run_scoped3A = tpu.sem_alloc : memref<!tpu.dma_semaphore, #tpu.memory_space<semaphore_mem>>
      %dma_start3A = arith.constant 0 : i32
      %dma_start3A_21 = tpu.memref_slice %arg10[%mul3A_8, %dma_start3A] : memref<10240x16xf32, #tpu.memory_space<vmem_shared>> -> memref<640x16xf32, #tpu.memory_space<vmem_shared>>
      %dma_start3A_22 = arith.constant 0 : i32
      %dma_start3A_23 = tpu.memref_slice %arg10[%mul3A_8, %dma_start3A_22] : memref<10240x16xf32, #tpu.memory_space<vmem_shared>> -> memref<640x16xf32, #tpu.memory_space<vmem_shared>>
      tpu.enqueue_dma source(%arg9 : memref<640x16xf32, #tpu.memory_space<vmem>>) target(%dma_start3A_23 : memref<640x16xf32, #tpu.memory_space<vmem_shared>>) target_semaphore(%run_scoped3A : memref<!tpu.dma_semaphore, #tpu.memory_space<semaphore_mem>>)
      %dma_wait3A = arith.constant 0 : i32
      %dma_wait3A_24 = tpu.memref_slice %arg10[%mul3A_8, %dma_wait3A] : memref<10240x16xf32, #tpu.memory_space<vmem_shared>> -> memref<640x16xf32, #tpu.memory_space<vmem_shared>>
      %dma_wait3A_25 = arith.constant 0 : i32
      %dma_wait3A_26 = tpu.memref_slice %arg10[%mul3A_8, %dma_wait3A_25] : memref<10240x16xf32, #tpu.memory_space<vmem_shared>> -> memref<640x16xf32, #tpu.memory_space<vmem_shared>>
      tpu.wait_dma2 semaphore(%run_scoped3A : memref<!tpu.dma_semaphore, #tpu.memory_space<semaphore_mem>>) src(%arg9 : memref<640x16xf32, #tpu.memory_space<vmem>>) dst(%dma_wait3A_26 : memref<640x16xf32, #tpu.memory_space<vmem_shared>>)
      tpu.yield
    }) : () -> ()
    %barrier3A = arith.constant 0 : index
    tpu.barrier barrier_id(%barrier3A)
    %scan3A_9 = arith.constant 0 : i32
    %scan3A_10 = arith.constant 0 : i32
    %scan3A_11 = arith.constant 40 : i32
    %scan3A_12 = arith.addi %scan3A_10, %scan3A_11 : i32
    %scan3A_13 = arith.constant 1 : i32
    %scan3A_14 = scf.for %scan3A_21 = %scan3A_10 to %scan3A_12 step %scan3A_13 iter_args(%scan3A_22 = %scan3A_9) -> (i32)  : i32 {
      "tpu.region"() ({
        %run_scoped3A = tpu.sem_alloc : memref<!tpu.dma_semaphore, #tpu.memory_space<semaphore_mem>>
        %dma_start3A_28 = arith.constant 0 : i32
        %dma_start3A_29 = tpu.memref_slice %arg3[%add3A, %scan3A_21, %dma_start3A_28] : memref<32x40x128xi32, #tpu.memory_space<hbm>> -> memref<1x1x128xi32, #tpu.memory_space<hbm>>
        %dma_start3A_30 = tpu.memref_squeeze %dma_start3A_29 : memref<1x1x128xi32, #tpu.memory_space<hbm>> -> memref<128xi32, #tpu.memory_space<hbm>>
        %dma_start3A_31 = arith.constant 0 : i32
        %dma_start3A_32 = tpu.memref_slice %arg3[%add3A, %scan3A_21, %dma_start3A_31] : memref<32x40x128xi32, #tpu.memory_space<hbm>> -> memref<1x1x128xi32, #tpu.memory_space<hbm>>
        %dma_start3A_33 = tpu.memref_squeeze %dma_start3A_32 : memref<1x1x128xi32, #tpu.memory_space<hbm>> -> memref<128xi32, #tpu.memory_space<hbm>>
        tpu.enqueue_dma source(%dma_start3A_33 : memref<128xi32, #tpu.memory_space<hbm>>) target(%arg6 : memref<128xi32, #tpu.memory_space<vmem>>) target_semaphore(%run_scoped3A : memref<!tpu.dma_semaphore, #tpu.memory_space<semaphore_mem>>)
        %dma_wait3A_34 = arith.constant 0 : i32
        %dma_wait3A_35 = tpu.memref_slice %arg3[%add3A, %scan3A_21, %dma_wait3A_34] : memref<32x40x128xi32, #tpu.memory_space<hbm>> -> memref<1x1x128xi32, #tpu.memory_space<hbm>>
        %dma_wait3A_36 = tpu.memref_squeeze %dma_wait3A_35 : memref<1x1x128xi32, #tpu.memory_space<hbm>> -> memref<128xi32, #tpu.memory_space<hbm>>
        %dma_wait3A_37 = arith.constant 0 : i32
        %dma_wait3A_38 = tpu.memref_slice %arg3[%add3A, %scan3A_21, %dma_wait3A_37] : memref<32x40x128xi32, #tpu.memory_space<hbm>> -> memref<1x1x128xi32, #tpu.memory_space<hbm>>
        %dma_wait3A_39 = tpu.memref_squeeze %dma_wait3A_38 : memref<1x1x128xi32, #tpu.memory_space<hbm>> -> memref<128xi32, #tpu.memory_space<hbm>>
        tpu.wait_dma2 semaphore(%run_scoped3A : memref<!tpu.dma_semaphore, #tpu.memory_space<semaphore_mem>>) src(%dma_wait3A_39 : memref<128xi32, #tpu.memory_space<hbm>>) dst(%arg6 : memref<128xi32, #tpu.memory_space<vmem>>)
        tpu.yield
      }) : () -> ()
      "tpu.region"() ({
        %run_scoped3A = tpu.sem_alloc : memref<!tpu.dma_semaphore, #tpu.memory_space<semaphore_mem>>
        %dma_start3A_28 = arith.constant 0 : i32
        %dma_start3A_29 = tpu.memref_slice %arg4[%add3A, %scan3A_21, %dma_start3A_28] : memref<32x40x128xi32, #tpu.memory_space<hbm>> -> memref<1x1x128xi32, #tpu.memory_space<hbm>>
        %dma_start3A_30 = tpu.memref_squeeze %dma_start3A_29 : memref<1x1x128xi32, #tpu.memory_space<hbm>> -> memref<128xi32, #tpu.memory_space<hbm>>
        %dma_start3A_31 = arith.constant 0 : i32
        %dma_start3A_32 = tpu.memref_slice %arg4[%add3A, %scan3A_21, %dma_start3A_31] : memref<32x40x128xi32, #tpu.memory_space<hbm>> -> memref<1x1x128xi32, #tpu.memory_space<hbm>>
        %dma_start3A_33 = tpu.memref_squeeze %dma_start3A_32 : memref<1x1x128xi32, #tpu.memory_space<hbm>> -> memref<128xi32, #tpu.memory_space<hbm>>
        tpu.enqueue_dma source(%dma_start3A_33 : memref<128xi32, #tpu.memory_space<hbm>>) target(%arg7 : memref<128xi32, #tpu.memory_space<vmem>>) target_semaphore(%run_scoped3A : memref<!tpu.dma_semaphore, #tpu.memory_space<semaphore_mem>>)
        %dma_wait3A_34 = arith.constant 0 : i32
        %dma_wait3A_35 = tpu.memref_slice %arg4[%add3A, %scan3A_21, %dma_wait3A_34] : memref<32x40x128xi32, #tpu.memory_space<hbm>> -> memref<1x1x128xi32, #tpu.memory_space<hbm>>
        %dma_wait3A_36 = tpu.memref_squeeze %dma_wait3A_35 : memref<1x1x128xi32, #tpu.memory_space<hbm>> -> memref<128xi32, #tpu.memory_space<hbm>>
        %dma_wait3A_37 = arith.constant 0 : i32
        %dma_wait3A_38 = tpu.memref_slice %arg4[%add3A, %scan3A_21, %dma_wait3A_37] : memref<32x40x128xi32, #tpu.memory_space<hbm>> -> memref<1x1x128xi32, #tpu.memory_space<hbm>>
        %dma_wait3A_39 = tpu.memref_squeeze %dma_wait3A_38 : memref<1x1x128xi32, #tpu.memory_space<hbm>> -> memref<128xi32, #tpu.memory_space<hbm>>
        tpu.wait_dma2 semaphore(%run_scoped3A : memref<!tpu.dma_semaphore, #tpu.memory_space<semaphore_mem>>) src(%dma_wait3A_39 : memref<128xi32, #tpu.memory_space<hbm>>) dst(%arg7 : memref<128xi32, #tpu.memory_space<vmem>>)
        tpu.yield
      }) : () -> ()
      %dma_start3A = arith.constant 0 : i32
      %dma_start3A_23 = arith.constant 0 : i32
      %dma_start3A_24 = tpu.memref_slice %arg2[%dma_start3A, %dma_start3A_23] : memref<10240x16xf32, #tpu.memory_space<hbm>> -> memref<10240x16xf32, #tpu.memory_space<hbm>>
      tpu.enqueue_indirect_dma source(%dma_start3A_24 : memref<10240x16xf32, #tpu.memory_space<hbm>>) target(%arg8 : memref<128x16xf32, #tpu.memory_space<vmem>>) offsets(%arg6 : memref<128xi32, #tpu.memory_space<vmem>>) semaphore(%arg11 : memref<!tpu.dma_semaphore, #tpu.memory_space<semaphore_mem>>)
      %dma_wait3A = arith.constant 0 : i32
      %dma_wait3A_25 = arith.constant 0 : i32
      %dma_wait3A_26 = tpu.memref_slice %arg2[%dma_wait3A, %dma_wait3A_25] : memref<10240x16xf32, #tpu.memory_space<hbm>> -> memref<10240x16xf32, #tpu.memory_space<hbm>>
      tpu.wait_indirect_dma semaphore(%arg11 : memref<!tpu.dma_semaphore, #tpu.memory_space<semaphore_mem>>) src(%dma_wait3A_26 : memref<10240x16xf32, #tpu.memory_space<hbm>>) dst(%arg8 : memref<128x16xf32, #tpu.memory_space<vmem>>)
      "tpu.region"() ({
        %run_scoped3A = tpu.sem_alloc : memref<!tpu.dma_semaphore, #tpu.memory_space<semaphore_mem>>
        %dma_start3A_28 = arith.constant 0 : i32
        %dma_start3A_29 = arith.constant 0 : i32
        %dma_start3A_30 = tpu.memref_slice %arg10[%dma_start3A_28, %dma_start3A_29] : memref<10240x16xf32, #tpu.memory_space<vmem_shared>> -> memref<10240x16xf32, #tpu.memory_space<vmem_shared>>
        tpu.enqueue_indirect_dma source(%arg8 : memref<128x16xf32, #tpu.memory_space<vmem>>) target(%dma_start3A_30 : memref<10240x16xf32, #tpu.memory_space<vmem_shared>>) offsets(%arg7 : memref<128xi32, #tpu.memory_space<vmem>>) semaphore(%run_scoped3A : memref<!tpu.dma_semaphore, #tpu.memory_space<semaphore_mem>>) {add = true}
        %dma_wait3A_31 = arith.constant 0 : i32
        %dma_wait3A_32 = arith.constant 0 : i32
        %dma_wait3A_33 = tpu.memref_slice %arg10[%dma_wait3A_31, %dma_wait3A_32] : memref<10240x16xf32, #tpu.memory_space<vmem_shared>> -> memref<10240x16xf32, #tpu.memory_space<vmem_shared>>
        tpu.wait_indirect_dma semaphore(%run_scoped3A : memref<!tpu.dma_semaphore, #tpu.memory_space<semaphore_mem>>) src(%arg8 : memref<128x16xf32, #tpu.memory_space<vmem>>) dst(%dma_wait3A_33 : memref<10240x16xf32, #tpu.memory_space<vmem_shared>>)
        tpu.yield
      }) : () -> ()
      %scan3A_27 = arith.constant 0 : i32
      scf.yield %scan3A_27 : i32
    }
    %scan3A_15 = arith.constant 40 : i32
    %barrier3A_16 = arith.constant 0 : index
    tpu.barrier barrier_id(%barrier3A_16)
    %mul3A_17 = arith.constant 640 : i32
    %mul3A_18 = arith.muli %arg1, %mul3A_17 : i32
    "tpu.region"() ({
      %run_scoped3A = tpu.sem_alloc : memref<!tpu.dma_semaphore, #tpu.memory_space<semaphore_mem>>
      %dma_start3A = arith.constant 0 : i32
      %dma_start3A_21 = tpu.memref_slice %arg10[%mul3A_18, %dma_start3A] : memref<10240x16xf32, #tpu.memory_space<vmem_shared>> -> memref<640x16xf32, #tpu.memory_space<vmem_shared>>
      %dma_start3A_22 = arith.constant 0 : i32
      %dma_start3A_23 = tpu.memref_slice %arg10[%mul3A_18, %dma_start3A_22] : memref<10240x16xf32, #tpu.memory_space<vmem_shared>> -> memref<640x16xf32, #tpu.memory_space<vmem_shared>>
      tpu.enqueue_dma source(%dma_start3A_23 : memref<640x16xf32, #tpu.memory_space<vmem_shared>>) target(%arg9 : memref<640x16xf32, #tpu.memory_space<vmem>>) target_semaphore(%run_scoped3A : memref<!tpu.dma_semaphore, #tpu.memory_space<semaphore_mem>>)
      %dma_wait3A = arith.constant 0 : i32
      %dma_wait3A_24 = tpu.memref_slice %arg10[%mul3A_18, %dma_wait3A] : memref<10240x16xf32, #tpu.memory_space<vmem_shared>> -> memref<640x16xf32, #tpu.memory_space<vmem_shared>>
      %dma_wait3A_25 = arith.constant 0 : i32
      %dma_wait3A_26 = tpu.memref_slice %arg10[%mul3A_18, %dma_wait3A_25] : memref<10240x16xf32, #tpu.memory_space<vmem_shared>> -> memref<640x16xf32, #tpu.memory_space<vmem_shared>>
      tpu.wait_dma2 semaphore(%run_scoped3A : memref<!tpu.dma_semaphore, #tpu.memory_space<semaphore_mem>>) src(%dma_wait3A_26 : memref<640x16xf32, #tpu.memory_space<vmem_shared>>) dst(%arg9 : memref<640x16xf32, #tpu.memory_space<vmem>>)
      tpu.yield
    }) : () -> ()
    %mul3A_19 = arith.constant 640 : i32
    %mul3A_20 = arith.muli %arg1, %mul3A_19 : i32
    "tpu.region"() ({
      %run_scoped3A = tpu.sem_alloc : memref<!tpu.dma_semaphore, #tpu.memory_space<semaphore_mem>>
      %dma_start3A = arith.constant 0 : i32
      %dma_start3A_21 = tpu.memref_slice %arg5[%arg0, %mul3A_20, %dma_start3A] : memref<2x10240x16xf32, #tpu.memory_space<hbm>> -> memref<1x640x16xf32, #tpu.memory_space<hbm>>
      %dma_start3A_22 = tpu.memref_squeeze %dma_start3A_21 : memref<1x640x16xf32, #tpu.memory_space<hbm>> -> memref<640x16xf32, #tpu.memory_space<hbm>>
      %dma_start3A_23 = arith.constant 0 : i32
      %dma_start3A_24 = tpu.memref_slice %arg5[%arg0, %mul3A_20, %dma_start3A_23] : memref<2x10240x16xf32, #tpu.memory_space<hbm>> -> memref<1x640x16xf32, #tpu.memory_space<hbm>>
      %dma_start3A_25 = tpu.memref_squeeze %dma_start3A_24 : memref<1x640x16xf32, #tpu.memory_space<hbm>> -> memref<640x16xf32, #tpu.memory_space<hbm>>
      tpu.enqueue_dma source(%arg9 : memref<640x16xf32, #tpu.memory_space<vmem>>) target(%dma_start3A_25 : memref<640x16xf32, #tpu.memory_space<hbm>>) target_semaphore(%run_scoped3A : memref<!tpu.dma_semaphore, #tpu.memory_space<semaphore_mem>>)
      %dma_wait3A = arith.constant 0 : i32
      %dma_wait3A_26 = tpu.memref_slice %arg5[%arg0, %mul3A_20, %dma_wait3A] : memref<2x10240x16xf32, #tpu.memory_space<hbm>> -> memref<1x640x16xf32, #tpu.memory_space<hbm>>
      %dma_wait3A_27 = tpu.memref_squeeze %dma_wait3A_26 : memref<1x640x16xf32, #tpu.memory_space<hbm>> -> memref<640x16xf32, #tpu.memory_space<hbm>>
      %dma_wait3A_28 = arith.constant 0 : i32
      %dma_wait3A_29 = tpu.memref_slice %arg5[%arg0, %mul3A_20, %dma_wait3A_28] : memref<2x10240x16xf32, #tpu.memory_space<hbm>> -> memref<1x640x16xf32, #tpu.memory_space<hbm>>
      %dma_wait3A_30 = tpu.memref_squeeze %dma_wait3A_29 : memref<1x640x16xf32, #tpu.memory_space<hbm>> -> memref<640x16xf32, #tpu.memory_space<hbm>>
      tpu.wait_dma2 semaphore(%run_scoped3A : memref<!tpu.dma_semaphore, #tpu.memory_space<semaphore_mem>>) src(%arg9 : memref<640x16xf32, #tpu.memory_space<vmem>>) dst(%dma_wait3A_30 : memref<640x16xf32, #tpu.memory_space<hbm>>)
      tpu.yield
    }) : () -> ()
    return
  }
}

#map = affine_map<(d0, d1) -> (0, 0)>
#map1 = affine_map<(d0, d1) -> (0, 0, 0)>
module attributes {stable_mosaic.version = 14 : i64} {
  func.func @_agg_body(%arg0: i32, %arg1: i32, %arg2: memref<10240x32xf32, #tpu.memory_space<hbm>>, %arg3: memref<32x40x128xi32, #tpu.memory_space<hbm>>, %arg4: memref<32x40x128xi32, #tpu.memory_space<hbm>>, %arg5: memref<2x10240x32xf32, #tpu.memory_space<hbm>>, %arg6: memref<128xi32, #tpu.memory_space<vmem>>, %arg7: memref<128xi32, #tpu.memory_space<vmem>>, %arg8: memref<128x32xf32, #tpu.memory_space<vmem>>, %arg9: memref<640x32xf32, #tpu.memory_space<vmem>>, %arg10: memref<10240x32xf32, #tpu.memory_space<vmem_shared>>, %arg11: memref<!tpu.dma_semaphore, #tpu.memory_space<semaphore_mem>>) attributes {dimension_semantics = [#tpu.dimension_semantics<core_parallel>, #tpu.dimension_semantics<subcore_parallel>], iteration_bounds = array<i64: 2, 16>, scalar_prefetch = 0 : i64, scratch_operands = 6 : i64, tpu.core_type = #tpu.core_type<sc_vector_subcore>, window_params = [{transform_indices = #map}, {transform_indices = #map1}, {transform_indices = #map1}, {transform_indices = #map1}]} {
    %mul3A = arith.constant 16 : i32
    %mul3A_0 = arith.muli %arg0, %mul3A : i32
    %add3A = arith.addi %mul3A_0, %arg1 : i32
    %scan3A = arith.constant 0 : i32
    %scan3A_1 = arith.constant 0 : i32
    %scan3A_2 = arith.constant 1280 : i32
    %scan3A_3 = arith.addi %scan3A_1, %scan3A_2 : i32
    %scan3A_4 = arith.constant 1 : i32
    %scan3A_5 = scf.for %scan3A_21 = %scan3A_1 to %scan3A_3 step %scan3A_4 iter_args(%scan3A_22 = %scan3A) -> (i32)  : i32 {
      %jit3A = arith.constant 2 : i32
      %div3A = arith.divsi %scan3A_21, %jit3A : i32
      %sign3A = arith.constant 0 : i32
      %sign3A_23 = arith.cmpi sgt, %scan3A_21, %sign3A : i32
      %sign3A_24 = arith.extui %sign3A_23 : i1 to i32
      %sign3A_25 = arith.constant 0 : i32
      %sign3A_26 = arith.cmpi slt, %scan3A_21, %sign3A_25 : i32
      %sign3A_27 = arith.extui %sign3A_26 : i1 to i32
      %sign3A_28 = arith.subi %sign3A_24, %sign3A_27 : i32
      %sign3A_29 = arith.constant 0 : i32
      %sign3A_30 = arith.cmpi sgt, %jit3A, %sign3A_29 : i32
      %sign3A_31 = arith.extui %sign3A_30 : i1 to i32
      %sign3A_32 = arith.constant 0 : i32
      %sign3A_33 = arith.cmpi slt, %jit3A, %sign3A_32 : i32
      %sign3A_34 = arith.extui %sign3A_33 : i1 to i32
      %sign3A_35 = arith.subi %sign3A_31, %sign3A_34 : i32
      %ne3A = arith.cmpi ne, %sign3A_28, %sign3A_35 : i32
      %rem3A = arith.remsi %scan3A_21, %jit3A : i32
      %ne3A_36 = arith.constant 0 : i32
      %ne3A_37 = arith.cmpi ne, %rem3A, %ne3A_36 : i32
      %and3A = arith.andi %ne3A, %ne3A_37 : i1
      %sub3A = arith.constant 1 : i32
      %sub3A_38 = arith.subi %div3A, %sub3A : i32
      %select_n3A = arith.select %and3A, %sub3A_38, %div3A : i32
      %mul3A_39 = arith.constant 2 : i32
      %mul3A_40 = arith.muli %select_n3A, %mul3A_39 : i32
      %sub3A_41 = arith.subi %scan3A_21, %mul3A_40 : i32
      %broadcast_in_dim3A = arith.constant 0.000000e+00 : f32
      %broadcast_in_dim3A_42 = vector.broadcast %broadcast_in_dim3A : f32 to vector<16xf32>
      %mul3A_43 = arith.constant 16 : i32
      %mul3A_44 = arith.muli %sub3A_41, %mul3A_43 : i32
      %swap3A = arith.index_cast %select_n3A : i32 to index
      %swap3A_45 = arith.index_cast %mul3A_44 : i32 to index
      %swap3A_46 = tpu.vector_load %arg9[%swap3A, %swap3A_45] {strides = array<i32>} : memref<640x32xf32, #tpu.memory_space<vmem>>, vector<1x16xf32>,
      %swap3A_47 = vector.shape_cast %swap3A_46 : vector<1x16xf32> to vector<16xf32>
      %swap3A_48 = vector.shape_cast %broadcast_in_dim3A_42 : vector<16xf32> to vector<1x16xf32>
      tpu.vector_store %arg9[%swap3A, %swap3A_45], %swap3A_48 {strides = array<i32>} : memref<640x32xf32, #tpu.memory_space<vmem>>, vector<1x16xf32>,
      %scan3A_49 = arith.constant 0 : i32
      scf.yield %scan3A_49 : i32
    }
    %scan3A_6 = arith.constant 1280 : i32
    %mul3A_7 = arith.constant 640 : i32
    %mul3A_8 = arith.muli %arg1, %mul3A_7 : i32
    "tpu.region"() ({
      %run_scoped3A = tpu.sem_alloc : memref<!tpu.dma_semaphore, #tpu.memory_space<semaphore_mem>>
      %dma_start3A = arith.constant 0 : i32
      %dma_start3A_21 = tpu.memref_slice %arg10[%mul3A_8, %dma_start3A] : memref<10240x32xf32, #tpu.memory_space<vmem_shared>> -> memref<640x32xf32, #tpu.memory_space<vmem_shared>>
      %dma_start3A_22 = arith.constant 0 : i32
      %dma_start3A_23 = tpu.memref_slice %arg10[%mul3A_8, %dma_start3A_22] : memref<10240x32xf32, #tpu.memory_space<vmem_shared>> -> memref<640x32xf32, #tpu.memory_space<vmem_shared>>
      tpu.enqueue_dma source(%arg9 : memref<640x32xf32, #tpu.memory_space<vmem>>) target(%dma_start3A_23 : memref<640x32xf32, #tpu.memory_space<vmem_shared>>) target_semaphore(%run_scoped3A : memref<!tpu.dma_semaphore, #tpu.memory_space<semaphore_mem>>)
      %dma_wait3A = arith.constant 0 : i32
      %dma_wait3A_24 = tpu.memref_slice %arg10[%mul3A_8, %dma_wait3A] : memref<10240x32xf32, #tpu.memory_space<vmem_shared>> -> memref<640x32xf32, #tpu.memory_space<vmem_shared>>
      %dma_wait3A_25 = arith.constant 0 : i32
      %dma_wait3A_26 = tpu.memref_slice %arg10[%mul3A_8, %dma_wait3A_25] : memref<10240x32xf32, #tpu.memory_space<vmem_shared>> -> memref<640x32xf32, #tpu.memory_space<vmem_shared>>
      tpu.wait_dma2 semaphore(%run_scoped3A : memref<!tpu.dma_semaphore, #tpu.memory_space<semaphore_mem>>) src(%arg9 : memref<640x32xf32, #tpu.memory_space<vmem>>) dst(%dma_wait3A_26 : memref<640x32xf32, #tpu.memory_space<vmem_shared>>)
      tpu.yield
    }) : () -> ()
    %barrier3A = arith.constant 0 : index
    tpu.barrier barrier_id(%barrier3A)
    %scan3A_9 = arith.constant 0 : i32
    %scan3A_10 = arith.constant 0 : i32
    %scan3A_11 = arith.constant 40 : i32
    %scan3A_12 = arith.addi %scan3A_10, %scan3A_11 : i32
    %scan3A_13 = arith.constant 1 : i32
    %scan3A_14 = scf.for %scan3A_21 = %scan3A_10 to %scan3A_12 step %scan3A_13 iter_args(%scan3A_22 = %scan3A_9) -> (i32)  : i32 {
      "tpu.region"() ({
        %run_scoped3A = tpu.sem_alloc : memref<!tpu.dma_semaphore, #tpu.memory_space<semaphore_mem>>
        %dma_start3A_28 = arith.constant 0 : i32
        %dma_start3A_29 = tpu.memref_slice %arg3[%add3A, %scan3A_21, %dma_start3A_28] : memref<32x40x128xi32, #tpu.memory_space<hbm>> -> memref<1x1x128xi32, #tpu.memory_space<hbm>>
        %dma_start3A_30 = tpu.memref_squeeze %dma_start3A_29 : memref<1x1x128xi32, #tpu.memory_space<hbm>> -> memref<128xi32, #tpu.memory_space<hbm>>
        %dma_start3A_31 = arith.constant 0 : i32
        %dma_start3A_32 = tpu.memref_slice %arg3[%add3A, %scan3A_21, %dma_start3A_31] : memref<32x40x128xi32, #tpu.memory_space<hbm>> -> memref<1x1x128xi32, #tpu.memory_space<hbm>>
        %dma_start3A_33 = tpu.memref_squeeze %dma_start3A_32 : memref<1x1x128xi32, #tpu.memory_space<hbm>> -> memref<128xi32, #tpu.memory_space<hbm>>
        tpu.enqueue_dma source(%dma_start3A_33 : memref<128xi32, #tpu.memory_space<hbm>>) target(%arg6 : memref<128xi32, #tpu.memory_space<vmem>>) target_semaphore(%run_scoped3A : memref<!tpu.dma_semaphore, #tpu.memory_space<semaphore_mem>>)
        %dma_wait3A_34 = arith.constant 0 : i32
        %dma_wait3A_35 = tpu.memref_slice %arg3[%add3A, %scan3A_21, %dma_wait3A_34] : memref<32x40x128xi32, #tpu.memory_space<hbm>> -> memref<1x1x128xi32, #tpu.memory_space<hbm>>
        %dma_wait3A_36 = tpu.memref_squeeze %dma_wait3A_35 : memref<1x1x128xi32, #tpu.memory_space<hbm>> -> memref<128xi32, #tpu.memory_space<hbm>>
        %dma_wait3A_37 = arith.constant 0 : i32
        %dma_wait3A_38 = tpu.memref_slice %arg3[%add3A, %scan3A_21, %dma_wait3A_37] : memref<32x40x128xi32, #tpu.memory_space<hbm>> -> memref<1x1x128xi32, #tpu.memory_space<hbm>>
        %dma_wait3A_39 = tpu.memref_squeeze %dma_wait3A_38 : memref<1x1x128xi32, #tpu.memory_space<hbm>> -> memref<128xi32, #tpu.memory_space<hbm>>
        tpu.wait_dma2 semaphore(%run_scoped3A : memref<!tpu.dma_semaphore, #tpu.memory_space<semaphore_mem>>) src(%dma_wait3A_39 : memref<128xi32, #tpu.memory_space<hbm>>) dst(%arg6 : memref<128xi32, #tpu.memory_space<vmem>>)
        tpu.yield
      }) : () -> ()
      "tpu.region"() ({
        %run_scoped3A = tpu.sem_alloc : memref<!tpu.dma_semaphore, #tpu.memory_space<semaphore_mem>>
        %dma_start3A_28 = arith.constant 0 : i32
        %dma_start3A_29 = tpu.memref_slice %arg4[%add3A, %scan3A_21, %dma_start3A_28] : memref<32x40x128xi32, #tpu.memory_space<hbm>> -> memref<1x1x128xi32, #tpu.memory_space<hbm>>
        %dma_start3A_30 = tpu.memref_squeeze %dma_start3A_29 : memref<1x1x128xi32, #tpu.memory_space<hbm>> -> memref<128xi32, #tpu.memory_space<hbm>>
        %dma_start3A_31 = arith.constant 0 : i32
        %dma_start3A_32 = tpu.memref_slice %arg4[%add3A, %scan3A_21, %dma_start3A_31] : memref<32x40x128xi32, #tpu.memory_space<hbm>> -> memref<1x1x128xi32, #tpu.memory_space<hbm>>
        %dma_start3A_33 = tpu.memref_squeeze %dma_start3A_32 : memref<1x1x128xi32, #tpu.memory_space<hbm>> -> memref<128xi32, #tpu.memory_space<hbm>>
        tpu.enqueue_dma source(%dma_start3A_33 : memref<128xi32, #tpu.memory_space<hbm>>) target(%arg7 : memref<128xi32, #tpu.memory_space<vmem>>) target_semaphore(%run_scoped3A : memref<!tpu.dma_semaphore, #tpu.memory_space<semaphore_mem>>)
        %dma_wait3A_34 = arith.constant 0 : i32
        %dma_wait3A_35 = tpu.memref_slice %arg4[%add3A, %scan3A_21, %dma_wait3A_34] : memref<32x40x128xi32, #tpu.memory_space<hbm>> -> memref<1x1x128xi32, #tpu.memory_space<hbm>>
        %dma_wait3A_36 = tpu.memref_squeeze %dma_wait3A_35 : memref<1x1x128xi32, #tpu.memory_space<hbm>> -> memref<128xi32, #tpu.memory_space<hbm>>
        %dma_wait3A_37 = arith.constant 0 : i32
        %dma_wait3A_38 = tpu.memref_slice %arg4[%add3A, %scan3A_21, %dma_wait3A_37] : memref<32x40x128xi32, #tpu.memory_space<hbm>> -> memref<1x1x128xi32, #tpu.memory_space<hbm>>
        %dma_wait3A_39 = tpu.memref_squeeze %dma_wait3A_38 : memref<1x1x128xi32, #tpu.memory_space<hbm>> -> memref<128xi32, #tpu.memory_space<hbm>>
        tpu.wait_dma2 semaphore(%run_scoped3A : memref<!tpu.dma_semaphore, #tpu.memory_space<semaphore_mem>>) src(%dma_wait3A_39 : memref<128xi32, #tpu.memory_space<hbm>>) dst(%arg7 : memref<128xi32, #tpu.memory_space<vmem>>)
        tpu.yield
      }) : () -> ()
      %dma_start3A = arith.constant 0 : i32
      %dma_start3A_23 = arith.constant 0 : i32
      %dma_start3A_24 = tpu.memref_slice %arg2[%dma_start3A, %dma_start3A_23] : memref<10240x32xf32, #tpu.memory_space<hbm>> -> memref<10240x32xf32, #tpu.memory_space<hbm>>
      tpu.enqueue_indirect_dma source(%dma_start3A_24 : memref<10240x32xf32, #tpu.memory_space<hbm>>) target(%arg8 : memref<128x32xf32, #tpu.memory_space<vmem>>) offsets(%arg6 : memref<128xi32, #tpu.memory_space<vmem>>) semaphore(%arg11 : memref<!tpu.dma_semaphore, #tpu.memory_space<semaphore_mem>>)
      %dma_wait3A = arith.constant 0 : i32
      %dma_wait3A_25 = arith.constant 0 : i32
      %dma_wait3A_26 = tpu.memref_slice %arg2[%dma_wait3A, %dma_wait3A_25] : memref<10240x32xf32, #tpu.memory_space<hbm>> -> memref<10240x32xf32, #tpu.memory_space<hbm>>
      tpu.wait_indirect_dma semaphore(%arg11 : memref<!tpu.dma_semaphore, #tpu.memory_space<semaphore_mem>>) src(%dma_wait3A_26 : memref<10240x32xf32, #tpu.memory_space<hbm>>) dst(%arg8 : memref<128x32xf32, #tpu.memory_space<vmem>>)
      "tpu.region"() ({
        %run_scoped3A = tpu.sem_alloc : memref<!tpu.dma_semaphore, #tpu.memory_space<semaphore_mem>>
        %dma_start3A_28 = arith.constant 0 : i32
        %dma_start3A_29 = arith.constant 0 : i32
        %dma_start3A_30 = tpu.memref_slice %arg10[%dma_start3A_28, %dma_start3A_29] : memref<10240x32xf32, #tpu.memory_space<vmem_shared>> -> memref<10240x32xf32, #tpu.memory_space<vmem_shared>>
        tpu.enqueue_indirect_dma source(%arg8 : memref<128x32xf32, #tpu.memory_space<vmem>>) target(%dma_start3A_30 : memref<10240x32xf32, #tpu.memory_space<vmem_shared>>) offsets(%arg7 : memref<128xi32, #tpu.memory_space<vmem>>) semaphore(%run_scoped3A : memref<!tpu.dma_semaphore, #tpu.memory_space<semaphore_mem>>) {add = true}
        %dma_wait3A_31 = arith.constant 0 : i32
        %dma_wait3A_32 = arith.constant 0 : i32
        %dma_wait3A_33 = tpu.memref_slice %arg10[%dma_wait3A_31, %dma_wait3A_32] : memref<10240x32xf32, #tpu.memory_space<vmem_shared>> -> memref<10240x32xf32, #tpu.memory_space<vmem_shared>>
        tpu.wait_indirect_dma semaphore(%run_scoped3A : memref<!tpu.dma_semaphore, #tpu.memory_space<semaphore_mem>>) src(%arg8 : memref<128x32xf32, #tpu.memory_space<vmem>>) dst(%dma_wait3A_33 : memref<10240x32xf32, #tpu.memory_space<vmem_shared>>)
        tpu.yield
      }) : () -> ()
      %scan3A_27 = arith.constant 0 : i32
      scf.yield %scan3A_27 : i32
    }
    %scan3A_15 = arith.constant 40 : i32
    %barrier3A_16 = arith.constant 0 : index
    tpu.barrier barrier_id(%barrier3A_16)
    %mul3A_17 = arith.constant 640 : i32
    %mul3A_18 = arith.muli %arg1, %mul3A_17 : i32
    "tpu.region"() ({
      %run_scoped3A = tpu.sem_alloc : memref<!tpu.dma_semaphore, #tpu.memory_space<semaphore_mem>>
      %dma_start3A = arith.constant 0 : i32
      %dma_start3A_21 = tpu.memref_slice %arg10[%mul3A_18, %dma_start3A] : memref<10240x32xf32, #tpu.memory_space<vmem_shared>> -> memref<640x32xf32, #tpu.memory_space<vmem_shared>>
      %dma_start3A_22 = arith.constant 0 : i32
      %dma_start3A_23 = tpu.memref_slice %arg10[%mul3A_18, %dma_start3A_22] : memref<10240x32xf32, #tpu.memory_space<vmem_shared>> -> memref<640x32xf32, #tpu.memory_space<vmem_shared>>
      tpu.enqueue_dma source(%dma_start3A_23 : memref<640x32xf32, #tpu.memory_space<vmem_shared>>) target(%arg9 : memref<640x32xf32, #tpu.memory_space<vmem>>) target_semaphore(%run_scoped3A : memref<!tpu.dma_semaphore, #tpu.memory_space<semaphore_mem>>)
      %dma_wait3A = arith.constant 0 : i32
      %dma_wait3A_24 = tpu.memref_slice %arg10[%mul3A_18, %dma_wait3A] : memref<10240x32xf32, #tpu.memory_space<vmem_shared>> -> memref<640x32xf32, #tpu.memory_space<vmem_shared>>
      %dma_wait3A_25 = arith.constant 0 : i32
      %dma_wait3A_26 = tpu.memref_slice %arg10[%mul3A_18, %dma_wait3A_25] : memref<10240x32xf32, #tpu.memory_space<vmem_shared>> -> memref<640x32xf32, #tpu.memory_space<vmem_shared>>
      tpu.wait_dma2 semaphore(%run_scoped3A : memref<!tpu.dma_semaphore, #tpu.memory_space<semaphore_mem>>) src(%dma_wait3A_26 : memref<640x32xf32, #tpu.memory_space<vmem_shared>>) dst(%arg9 : memref<640x32xf32, #tpu.memory_space<vmem>>)
      tpu.yield
    }) : () -> ()
    %mul3A_19 = arith.constant 640 : i32
    %mul3A_20 = arith.muli %arg1, %mul3A_19 : i32
    "tpu.region"() ({
      %run_scoped3A = tpu.sem_alloc : memref<!tpu.dma_semaphore, #tpu.memory_space<semaphore_mem>>
      %dma_start3A = arith.constant 0 : i32
      %dma_start3A_21 = tpu.memref_slice %arg5[%arg0, %mul3A_20, %dma_start3A] : memref<2x10240x32xf32, #tpu.memory_space<hbm>> -> memref<1x640x32xf32, #tpu.memory_space<hbm>>
      %dma_start3A_22 = tpu.memref_squeeze %dma_start3A_21 : memref<1x640x32xf32, #tpu.memory_space<hbm>> -> memref<640x32xf32, #tpu.memory_space<hbm>>
      %dma_start3A_23 = arith.constant 0 : i32
      %dma_start3A_24 = tpu.memref_slice %arg5[%arg0, %mul3A_20, %dma_start3A_23] : memref<2x10240x32xf32, #tpu.memory_space<hbm>> -> memref<1x640x32xf32, #tpu.memory_space<hbm>>
      %dma_start3A_25 = tpu.memref_squeeze %dma_start3A_24 : memref<1x640x32xf32, #tpu.memory_space<hbm>> -> memref<640x32xf32, #tpu.memory_space<hbm>>
      tpu.enqueue_dma source(%arg9 : memref<640x32xf32, #tpu.memory_space<vmem>>) target(%dma_start3A_25 : memref<640x32xf32, #tpu.memory_space<hbm>>) target_semaphore(%run_scoped3A : memref<!tpu.dma_semaphore, #tpu.memory_space<semaphore_mem>>)
      %dma_wait3A = arith.constant 0 : i32
      %dma_wait3A_26 = tpu.memref_slice %arg5[%arg0, %mul3A_20, %dma_wait3A] : memref<2x10240x32xf32, #tpu.memory_space<hbm>> -> memref<1x640x32xf32, #tpu.memory_space<hbm>>
      %dma_wait3A_27 = tpu.memref_squeeze %dma_wait3A_26 : memref<1x640x32xf32, #tpu.memory_space<hbm>> -> memref<640x32xf32, #tpu.memory_space<hbm>>
      %dma_wait3A_28 = arith.constant 0 : i32
      %dma_wait3A_29 = tpu.memref_slice %arg5[%arg0, %mul3A_20, %dma_wait3A_28] : memref<2x10240x32xf32, #tpu.memory_space<hbm>> -> memref<1x640x32xf32, #tpu.memory_space<hbm>>
      %dma_wait3A_30 = tpu.memref_squeeze %dma_wait3A_29 : memref<1x640x32xf32, #tpu.memory_space<hbm>> -> memref<640x32xf32, #tpu.memory_space<hbm>>
      tpu.wait_dma2 semaphore(%run_scoped3A : memref<!tpu.dma_semaphore, #tpu.memory_space<semaphore_mem>>) src(%arg9 : memref<640x32xf32, #tpu.memory_space<vmem>>) dst(%dma_wait3A_30 : memref<640x32xf32, #tpu.memory_space<hbm>>)
      tpu.yield
    }) : () -> ()
    return
  }
}

#map = affine_map<(d0, d1) -> (0, 0, 0)>
#map1 = affine_map<(d0, d1) -> (0, 0)>
module attributes {stable_mosaic.version = 14 : i64} {
  func.func @_hist_body(%arg0: i32, %arg1: i32, %arg2: memref<32x40x128xi32, #tpu.memory_space<hbm>>, %arg3: memref<2x10240xf32, #tpu.memory_space<hbm>>, %arg4: memref<128xi32, #tpu.memory_space<vmem>>, %arg5: memref<128xf32, #tpu.memory_space<vmem>>, %arg6: memref<640xf32, #tpu.memory_space<vmem>>, %arg7: memref<10240xf32, #tpu.memory_space<vmem_shared>>, %arg8: memref<!tpu.dma_semaphore, #tpu.memory_space<semaphore_mem>>) attributes {dimension_semantics = [#tpu.dimension_semantics<core_parallel>, #tpu.dimension_semantics<subcore_parallel>], iteration_bounds = array<i64: 2, 16>, scalar_prefetch = 0 : i64, scratch_operands = 5 : i64, tpu.core_type = #tpu.core_type<sc_vector_subcore>, window_params = [{transform_indices = #map}, {transform_indices = #map1}]} {
    %mul3A = arith.constant 16 : i32
    %mul3A_0 = arith.muli %arg0, %mul3A : i32
    %add3A = arith.addi %mul3A_0, %arg1 : i32
    %scan3A = arith.constant 0 : i32
    %scan3A_1 = arith.constant 0 : i32
    %scan3A_2 = arith.constant 8 : i32
    %scan3A_3 = arith.addi %scan3A_1, %scan3A_2 : i32
    %scan3A_4 = arith.constant 1 : i32
    %scan3A_5 = scf.for %scan3A_28 = %scan3A_1 to %scan3A_3 step %scan3A_4 iter_args(%scan3A_29 = %scan3A) -> (i32)  : i32 {
      %broadcast_in_dim3A = arith.constant 1.000000e+00 : f32
      %broadcast_in_dim3A_30 = vector.broadcast %broadcast_in_dim3A : f32 to vector<16xf32>
      %mul3A_31 = arith.constant 16 : i32
      %mul3A_32 = arith.muli %scan3A_28, %mul3A_31 : i32
      %swap3A = arith.index_cast %mul3A_32 : i32 to index
      %swap3A_33 = tpu.vector_load %arg5[%swap3A] {strides = array<i32>} : memref<128xf32, #tpu.memory_space<vmem>>, vector<16xf32>,
      %swap3A_34 = vector.shape_cast %swap3A_33 : vector<16xf32> to vector<16xf32>
      %swap3A_35 = vector.shape_cast %broadcast_in_dim3A_30 : vector<16xf32> to vector<16xf32>
      tpu.vector_store %arg5[%swap3A], %swap3A_35 {strides = array<i32>} : memref<128xf32, #tpu.memory_space<vmem>>, vector<16xf32>,
      %scan3A_36 = arith.constant 0 : i32
      scf.yield %scan3A_36 : i32
    }
    %scan3A_6 = arith.constant 8 : i32
    %scan3A_7 = arith.constant 0 : i32
    %scan3A_8 = arith.constant 0 : i32
    %scan3A_9 = arith.constant 40 : i32
    %scan3A_10 = arith.addi %scan3A_8, %scan3A_9 : i32
    %scan3A_11 = arith.constant 1 : i32
    %scan3A_12 = scf.for %scan3A_28 = %scan3A_8 to %scan3A_10 step %scan3A_11 iter_args(%scan3A_29 = %scan3A_7) -> (i32)  : i32 {
      %broadcast_in_dim3A = arith.constant 0.000000e+00 : f32
      %broadcast_in_dim3A_30 = vector.broadcast %broadcast_in_dim3A : f32 to vector<16xf32>
      %mul3A_31 = arith.constant 16 : i32
      %mul3A_32 = arith.muli %scan3A_28, %mul3A_31 : i32
      %swap3A = arith.index_cast %mul3A_32 : i32 to index
      %swap3A_33 = tpu.vector_load %arg6[%swap3A] {strides = array<i32>} : memref<640xf32, #tpu.memory_space<vmem>>, vector<16xf32>,
      %swap3A_34 = vector.shape_cast %swap3A_33 : vector<16xf32> to vector<16xf32>
      %swap3A_35 = vector.shape_cast %broadcast_in_dim3A_30 : vector<16xf32> to vector<16xf32>
      tpu.vector_store %arg6[%swap3A], %swap3A_35 {strides = array<i32>} : memref<640xf32, #tpu.memory_space<vmem>>, vector<16xf32>,
      %scan3A_36 = arith.constant 0 : i32
      scf.yield %scan3A_36 : i32
    }
    %scan3A_13 = arith.constant 40 : i32
    %mul3A_14 = arith.constant 640 : i32
    %mul3A_15 = arith.muli %arg1, %mul3A_14 : i32
    "tpu.region"() ({
      %run_scoped3A = tpu.sem_alloc : memref<!tpu.dma_semaphore, #tpu.memory_space<semaphore_mem>>
      %dma_start3A = tpu.memref_slice %arg7[%mul3A_15] : memref<10240xf32, #tpu.memory_space<vmem_shared>> -> memref<640xf32, #tpu.memory_space<vmem_shared>>
      %dma_start3A_28 = tpu.memref_slice %arg7[%mul3A_15] : memref<10240xf32, #tpu.memory_space<vmem_shared>> -> memref<640xf32, #tpu.memory_space<vmem_shared>>
      tpu.enqueue_dma source(%arg6 : memref<640xf32, #tpu.memory_space<vmem>>) target(%dma_start3A_28 : memref<640xf32, #tpu.memory_space<vmem_shared>>) target_semaphore(%run_scoped3A : memref<!tpu.dma_semaphore, #tpu.memory_space<semaphore_mem>>)
      %dma_wait3A = tpu.memref_slice %arg7[%mul3A_15] : memref<10240xf32, #tpu.memory_space<vmem_shared>> -> memref<640xf32, #tpu.memory_space<vmem_shared>>
      %dma_wait3A_29 = tpu.memref_slice %arg7[%mul3A_15] : memref<10240xf32, #tpu.memory_space<vmem_shared>> -> memref<640xf32, #tpu.memory_space<vmem_shared>>
      tpu.wait_dma2 semaphore(%run_scoped3A : memref<!tpu.dma_semaphore, #tpu.memory_space<semaphore_mem>>) src(%arg6 : memref<640xf32, #tpu.memory_space<vmem>>) dst(%dma_wait3A_29 : memref<640xf32, #tpu.memory_space<vmem_shared>>)
      tpu.yield
    }) : () -> ()
    %barrier3A = arith.constant 0 : index
    tpu.barrier barrier_id(%barrier3A)
    %scan3A_16 = arith.constant 0 : i32
    %scan3A_17 = arith.constant 0 : i32
    %scan3A_18 = arith.constant 40 : i32
    %scan3A_19 = arith.addi %scan3A_17, %scan3A_18 : i32
    %scan3A_20 = arith.constant 1 : i32
    %scan3A_21 = scf.for %scan3A_28 = %scan3A_17 to %scan3A_19 step %scan3A_20 iter_args(%scan3A_29 = %scan3A_16) -> (i32)  : i32 {
      "tpu.region"() ({
        %run_scoped3A = tpu.sem_alloc : memref<!tpu.dma_semaphore, #tpu.memory_space<semaphore_mem>>
        %dma_start3A = arith.constant 0 : i32
        %dma_start3A_31 = tpu.memref_slice %arg2[%add3A, %scan3A_28, %dma_start3A] : memref<32x40x128xi32, #tpu.memory_space<hbm>> -> memref<1x1x128xi32, #tpu.memory_space<hbm>>
        %dma_start3A_32 = tpu.memref_squeeze %dma_start3A_31 : memref<1x1x128xi32, #tpu.memory_space<hbm>> -> memref<128xi32, #tpu.memory_space<hbm>>
        %dma_start3A_33 = arith.constant 0 : i32
        %dma_start3A_34 = tpu.memref_slice %arg2[%add3A, %scan3A_28, %dma_start3A_33] : memref<32x40x128xi32, #tpu.memory_space<hbm>> -> memref<1x1x128xi32, #tpu.memory_space<hbm>>
        %dma_start3A_35 = tpu.memref_squeeze %dma_start3A_34 : memref<1x1x128xi32, #tpu.memory_space<hbm>> -> memref<128xi32, #tpu.memory_space<hbm>>
        tpu.enqueue_dma source(%dma_start3A_35 : memref<128xi32, #tpu.memory_space<hbm>>) target(%arg4 : memref<128xi32, #tpu.memory_space<vmem>>) target_semaphore(%run_scoped3A : memref<!tpu.dma_semaphore, #tpu.memory_space<semaphore_mem>>)
        %dma_wait3A = arith.constant 0 : i32
        %dma_wait3A_36 = tpu.memref_slice %arg2[%add3A, %scan3A_28, %dma_wait3A] : memref<32x40x128xi32, #tpu.memory_space<hbm>> -> memref<1x1x128xi32, #tpu.memory_space<hbm>>
        %dma_wait3A_37 = tpu.memref_squeeze %dma_wait3A_36 : memref<1x1x128xi32, #tpu.memory_space<hbm>> -> memref<128xi32, #tpu.memory_space<hbm>>
        %dma_wait3A_38 = arith.constant 0 : i32
        %dma_wait3A_39 = tpu.memref_slice %arg2[%add3A, %scan3A_28, %dma_wait3A_38] : memref<32x40x128xi32, #tpu.memory_space<hbm>> -> memref<1x1x128xi32, #tpu.memory_space<hbm>>
        %dma_wait3A_40 = tpu.memref_squeeze %dma_wait3A_39 : memref<1x1x128xi32, #tpu.memory_space<hbm>> -> memref<128xi32, #tpu.memory_space<hbm>>
        tpu.wait_dma2 semaphore(%run_scoped3A : memref<!tpu.dma_semaphore, #tpu.memory_space<semaphore_mem>>) src(%dma_wait3A_40 : memref<128xi32, #tpu.memory_space<hbm>>) dst(%arg4 : memref<128xi32, #tpu.memory_space<vmem>>)
        tpu.yield
      }) : () -> ()
      "tpu.region"() ({
        %run_scoped3A = tpu.sem_alloc : memref<!tpu.dma_semaphore, #tpu.memory_space<semaphore_mem>>
        %dma_start3A = arith.constant 0 : i32
        %dma_start3A_31 = tpu.memref_slice %arg7[%dma_start3A] : memref<10240xf32, #tpu.memory_space<vmem_shared>> -> memref<10240xf32, #tpu.memory_space<vmem_shared>>
        tpu.enqueue_indirect_dma source(%arg5 : memref<128xf32, #tpu.memory_space<vmem>>) target(%dma_start3A_31 : memref<10240xf32, #tpu.memory_space<vmem_shared>>) offsets(%arg4 : memref<128xi32, #tpu.memory_space<vmem>>) semaphore(%run_scoped3A : memref<!tpu.dma_semaphore, #tpu.memory_space<semaphore_mem>>) {add = true}
        %dma_wait3A = arith.constant 0 : i32
        %dma_wait3A_32 = tpu.memref_slice %arg7[%dma_wait3A] : memref<10240xf32, #tpu.memory_space<vmem_shared>> -> memref<10240xf32, #tpu.memory_space<vmem_shared>>
        tpu.wait_indirect_dma semaphore(%run_scoped3A : memref<!tpu.dma_semaphore, #tpu.memory_space<semaphore_mem>>) src(%arg5 : memref<128xf32, #tpu.memory_space<vmem>>) dst(%dma_wait3A_32 : memref<10240xf32, #tpu.memory_space<vmem_shared>>)
        tpu.yield
      }) : () -> ()
      %scan3A_30 = arith.constant 0 : i32
      scf.yield %scan3A_30 : i32
    }
    %scan3A_22 = arith.constant 40 : i32
    %barrier3A_23 = arith.constant 0 : index
    tpu.barrier barrier_id(%barrier3A_23)
    %mul3A_24 = arith.constant 640 : i32
    %mul3A_25 = arith.muli %arg1, %mul3A_24 : i32
    "tpu.region"() ({
      %run_scoped3A = tpu.sem_alloc : memref<!tpu.dma_semaphore, #tpu.memory_space<semaphore_mem>>
      %dma_start3A = tpu.memref_slice %arg7[%mul3A_25] : memref<10240xf32, #tpu.memory_space<vmem_shared>> -> memref<640xf32, #tpu.memory_space<vmem_shared>>
      %dma_start3A_28 = tpu.memref_slice %arg7[%mul3A_25] : memref<10240xf32, #tpu.memory_space<vmem_shared>> -> memref<640xf32, #tpu.memory_space<vmem_shared>>
      tpu.enqueue_dma source(%dma_start3A_28 : memref<640xf32, #tpu.memory_space<vmem_shared>>) target(%arg6 : memref<640xf32, #tpu.memory_space<vmem>>) target_semaphore(%run_scoped3A : memref<!tpu.dma_semaphore, #tpu.memory_space<semaphore_mem>>)
      %dma_wait3A = tpu.memref_slice %arg7[%mul3A_25] : memref<10240xf32, #tpu.memory_space<vmem_shared>> -> memref<640xf32, #tpu.memory_space<vmem_shared>>
      %dma_wait3A_29 = tpu.memref_slice %arg7[%mul3A_25] : memref<10240xf32, #tpu.memory_space<vmem_shared>> -> memref<640xf32, #tpu.memory_space<vmem_shared>>
      tpu.wait_dma2 semaphore(%run_scoped3A : memref<!tpu.dma_semaphore, #tpu.memory_space<semaphore_mem>>) src(%dma_wait3A_29 : memref<640xf32, #tpu.memory_space<vmem_shared>>) dst(%arg6 : memref<640xf32, #tpu.memory_space<vmem>>)
      tpu.yield
    }) : () -> ()
    %mul3A_26 = arith.constant 640 : i32
    %mul3A_27 = arith.muli %arg1, %mul3A_26 : i32
    "tpu.region"() ({
      %run_scoped3A = tpu.sem_alloc : memref<!tpu.dma_semaphore, #tpu.memory_space<semaphore_mem>>
      %dma_start3A = tpu.memref_slice %arg3[%arg0, %mul3A_27] : memref<2x10240xf32, #tpu.memory_space<hbm>> -> memref<1x640xf32, #tpu.memory_space<hbm>>
      %dma_start3A_28 = tpu.memref_squeeze %dma_start3A : memref<1x640xf32, #tpu.memory_space<hbm>> -> memref<640xf32, #tpu.memory_space<hbm>>
      %dma_start3A_29 = tpu.memref_slice %arg3[%arg0, %mul3A_27] : memref<2x10240xf32, #tpu.memory_space<hbm>> -> memref<1x640xf32, #tpu.memory_space<hbm>>
      %dma_start3A_30 = tpu.memref_squeeze %dma_start3A_29 : memref<1x640xf32, #tpu.memory_space<hbm>> -> memref<640xf32, #tpu.memory_space<hbm>>
      tpu.enqueue_dma source(%arg6 : memref<640xf32, #tpu.memory_space<vmem>>) target(%dma_start3A_30 : memref<640xf32, #tpu.memory_space<hbm>>) target_semaphore(%run_scoped3A : memref<!tpu.dma_semaphore, #tpu.memory_space<semaphore_mem>>)
      %dma_wait3A = tpu.memref_slice %arg3[%arg0, %mul3A_27] : memref<2x10240xf32, #tpu.memory_space<hbm>> -> memref<1x640xf32, #tpu.memory_space<hbm>>
      %dma_wait3A_31 = tpu.memref_squeeze %dma_wait3A : memref<1x640xf32, #tpu.memory_space<hbm>> -> memref<640xf32, #tpu.memory_space<hbm>>
      %dma_wait3A_32 = tpu.memref_slice %arg3[%arg0, %mul3A_27] : memref<2x10240xf32, #tpu.memory_space<hbm>> -> memref<1x640xf32, #tpu.memory_space<hbm>>
      %dma_wait3A_33 = tpu.memref_squeeze %dma_wait3A_32 : memref<1x640xf32, #tpu.memory_space<hbm>> -> memref<640xf32, #tpu.memory_space<hbm>>
      tpu.wait_dma2 semaphore(%run_scoped3A : memref<!tpu.dma_semaphore, #tpu.memory_space<semaphore_mem>>) src(%arg6 : memref<640xf32, #tpu.memory_space<vmem>>) dst(%dma_wait3A_33 : memref<640xf32, #tpu.memory_space<hbm>>)
      tpu.yield
    }) : () -> ()
    return
  }
}

#map = affine_map<(d0, d1) -> (0, 0)>
#map1 = affine_map<(d0, d1) -> (0, 0, 0)>
module attributes {stable_mosaic.version = 14 : i64} {
  func.func @_agg_body(%arg0: i32, %arg1: i32, %arg2: memref<10240x16xf32, #tpu.memory_space<hbm>>, %arg3: memref<32x40x128xi32, #tpu.memory_space<hbm>>, %arg4: memref<32x40x128xi32, #tpu.memory_space<hbm>>, %arg5: memref<2x10240x16xf32, #tpu.memory_space<hbm>>, %arg6: memref<128xi32, #tpu.memory_space<vmem>>, %arg7: memref<128xi32, #tpu.memory_space<vmem>>, %arg8: memref<128x16xf32, #tpu.memory_space<vmem>>, %arg9: memref<640x16xf32, #tpu.memory_space<vmem>>, %arg10: memref<10240x16xf32, #tpu.memory_space<vmem_shared>>, %arg11: memref<!tpu.dma_semaphore, #tpu.memory_space<semaphore_mem>>) attributes {dimension_semantics = [#tpu.dimension_semantics<core_parallel>, #tpu.dimension_semantics<subcore_parallel>], iteration_bounds = array<i64: 2, 16>, scalar_prefetch = 0 : i64, scratch_operands = 6 : i64, tpu.core_type = #tpu.core_type<sc_vector_subcore>, window_params = [{transform_indices = #map}, {transform_indices = #map1}, {transform_indices = #map1}, {transform_indices = #map1}]} {
    %mul3A = arith.constant 16 : i32
    %mul3A_0 = arith.muli %arg0, %mul3A : i32
    %add3A = arith.addi %mul3A_0, %arg1 : i32
    %scan3A = arith.constant 0 : i32
    %scan3A_1 = arith.constant 0 : i32
    %scan3A_2 = arith.constant 640 : i32
    %scan3A_3 = arith.addi %scan3A_1, %scan3A_2 : i32
    %scan3A_4 = arith.constant 1 : i32
    %scan3A_5 = scf.for %scan3A_21 = %scan3A_1 to %scan3A_3 step %scan3A_4 iter_args(%scan3A_22 = %scan3A) -> (i32)  : i32 {
      %jit3A = arith.constant 1 : i32
      %div3A = arith.divsi %scan3A_21, %jit3A : i32
      %sign3A = arith.constant 0 : i32
      %sign3A_23 = arith.cmpi sgt, %scan3A_21, %sign3A : i32
      %sign3A_24 = arith.extui %sign3A_23 : i1 to i32
      %sign3A_25 = arith.constant 0 : i32
      %sign3A_26 = arith.cmpi slt, %scan3A_21, %sign3A_25 : i32
      %sign3A_27 = arith.extui %sign3A_26 : i1 to i32
      %sign3A_28 = arith.subi %sign3A_24, %sign3A_27 : i32
      %sign3A_29 = arith.constant 0 : i32
      %sign3A_30 = arith.cmpi sgt, %jit3A, %sign3A_29 : i32
      %sign3A_31 = arith.extui %sign3A_30 : i1 to i32
      %sign3A_32 = arith.constant 0 : i32
      %sign3A_33 = arith.cmpi slt, %jit3A, %sign3A_32 : i32
      %sign3A_34 = arith.extui %sign3A_33 : i1 to i32
      %sign3A_35 = arith.subi %sign3A_31, %sign3A_34 : i32
      %ne3A = arith.cmpi ne, %sign3A_28, %sign3A_35 : i32
      %rem3A = arith.remsi %scan3A_21, %jit3A : i32
      %ne3A_36 = arith.constant 0 : i32
      %ne3A_37 = arith.cmpi ne, %rem3A, %ne3A_36 : i32
      %and3A = arith.andi %ne3A, %ne3A_37 : i1
      %sub3A = arith.constant 1 : i32
      %sub3A_38 = arith.subi %div3A, %sub3A : i32
      %select_n3A = arith.select %and3A, %sub3A_38, %div3A : i32
      %mul3A_39 = arith.constant 1 : i32
      %mul3A_40 = arith.muli %select_n3A, %mul3A_39 : i32
      %sub3A_41 = arith.subi %scan3A_21, %mul3A_40 : i32
      %broadcast_in_dim3A = arith.constant 0.000000e+00 : f32
      %broadcast_in_dim3A_42 = vector.broadcast %broadcast_in_dim3A : f32 to vector<16xf32>
      %mul3A_43 = arith.constant 16 : i32
      %mul3A_44 = arith.muli %sub3A_41, %mul3A_43 : i32
      %swap3A = arith.index_cast %select_n3A : i32 to index
      %swap3A_45 = arith.index_cast %mul3A_44 : i32 to index
      %swap3A_46 = tpu.vector_load %arg9[%swap3A, %swap3A_45] {strides = array<i32>} : memref<640x16xf32, #tpu.memory_space<vmem>>, vector<1x16xf32>,
      %swap3A_47 = vector.shape_cast %swap3A_46 : vector<1x16xf32> to vector<16xf32>
      %swap3A_48 = vector.shape_cast %broadcast_in_dim3A_42 : vector<16xf32> to vector<1x16xf32>
      tpu.vector_store %arg9[%swap3A, %swap3A_45], %swap3A_48 {strides = array<i32>} : memref<640x16xf32, #tpu.memory_space<vmem>>, vector<1x16xf32>,
      %scan3A_49 = arith.constant 0 : i32
      scf.yield %scan3A_49 : i32
    }
    %scan3A_6 = arith.constant 640 : i32
    %mul3A_7 = arith.constant 640 : i32
    %mul3A_8 = arith.muli %arg1, %mul3A_7 : i32
    "tpu.region"() ({
      %run_scoped3A = tpu.sem_alloc : memref<!tpu.dma_semaphore, #tpu.memory_space<semaphore_mem>>
      %dma_start3A = arith.constant 0 : i32
      %dma_start3A_21 = tpu.memref_slice %arg10[%mul3A_8, %dma_start3A] : memref<10240x16xf32, #tpu.memory_space<vmem_shared>> -> memref<640x16xf32, #tpu.memory_space<vmem_shared>>
      %dma_start3A_22 = arith.constant 0 : i32
      %dma_start3A_23 = tpu.memref_slice %arg10[%mul3A_8, %dma_start3A_22] : memref<10240x16xf32, #tpu.memory_space<vmem_shared>> -> memref<640x16xf32, #tpu.memory_space<vmem_shared>>
      tpu.enqueue_dma source(%arg9 : memref<640x16xf32, #tpu.memory_space<vmem>>) target(%dma_start3A_23 : memref<640x16xf32, #tpu.memory_space<vmem_shared>>) target_semaphore(%run_scoped3A : memref<!tpu.dma_semaphore, #tpu.memory_space<semaphore_mem>>)
      %dma_wait3A = arith.constant 0 : i32
      %dma_wait3A_24 = tpu.memref_slice %arg10[%mul3A_8, %dma_wait3A] : memref<10240x16xf32, #tpu.memory_space<vmem_shared>> -> memref<640x16xf32, #tpu.memory_space<vmem_shared>>
      %dma_wait3A_25 = arith.constant 0 : i32
      %dma_wait3A_26 = tpu.memref_slice %arg10[%mul3A_8, %dma_wait3A_25] : memref<10240x16xf32, #tpu.memory_space<vmem_shared>> -> memref<640x16xf32, #tpu.memory_space<vmem_shared>>
      tpu.wait_dma2 semaphore(%run_scoped3A : memref<!tpu.dma_semaphore, #tpu.memory_space<semaphore_mem>>) src(%arg9 : memref<640x16xf32, #tpu.memory_space<vmem>>) dst(%dma_wait3A_26 : memref<640x16xf32, #tpu.memory_space<vmem_shared>>)
      tpu.yield
    }) : () -> ()
    %barrier3A = arith.constant 0 : index
    tpu.barrier barrier_id(%barrier3A)
    %scan3A_9 = arith.constant 0 : i32
    %scan3A_10 = arith.constant 0 : i32
    %scan3A_11 = arith.constant 40 : i32
    %scan3A_12 = arith.addi %scan3A_10, %scan3A_11 : i32
    %scan3A_13 = arith.constant 1 : i32
    %scan3A_14 = scf.for %scan3A_21 = %scan3A_10 to %scan3A_12 step %scan3A_13 iter_args(%scan3A_22 = %scan3A_9) -> (i32)  : i32 {
      "tpu.region"() ({
        %run_scoped3A = tpu.sem_alloc : memref<!tpu.dma_semaphore, #tpu.memory_space<semaphore_mem>>
        %dma_start3A_28 = arith.constant 0 : i32
        %dma_start3A_29 = tpu.memref_slice %arg3[%add3A, %scan3A_21, %dma_start3A_28] : memref<32x40x128xi32, #tpu.memory_space<hbm>> -> memref<1x1x128xi32, #tpu.memory_space<hbm>>
        %dma_start3A_30 = tpu.memref_squeeze %dma_start3A_29 : memref<1x1x128xi32, #tpu.memory_space<hbm>> -> memref<128xi32, #tpu.memory_space<hbm>>
        %dma_start3A_31 = arith.constant 0 : i32
        %dma_start3A_32 = tpu.memref_slice %arg3[%add3A, %scan3A_21, %dma_start3A_31] : memref<32x40x128xi32, #tpu.memory_space<hbm>> -> memref<1x1x128xi32, #tpu.memory_space<hbm>>
        %dma_start3A_33 = tpu.memref_squeeze %dma_start3A_32 : memref<1x1x128xi32, #tpu.memory_space<hbm>> -> memref<128xi32, #tpu.memory_space<hbm>>
        tpu.enqueue_dma source(%dma_start3A_33 : memref<128xi32, #tpu.memory_space<hbm>>) target(%arg6 : memref<128xi32, #tpu.memory_space<vmem>>) target_semaphore(%run_scoped3A : memref<!tpu.dma_semaphore, #tpu.memory_space<semaphore_mem>>)
        %dma_wait3A_34 = arith.constant 0 : i32
        %dma_wait3A_35 = tpu.memref_slice %arg3[%add3A, %scan3A_21, %dma_wait3A_34] : memref<32x40x128xi32, #tpu.memory_space<hbm>> -> memref<1x1x128xi32, #tpu.memory_space<hbm>>
        %dma_wait3A_36 = tpu.memref_squeeze %dma_wait3A_35 : memref<1x1x128xi32, #tpu.memory_space<hbm>> -> memref<128xi32, #tpu.memory_space<hbm>>
        %dma_wait3A_37 = arith.constant 0 : i32
        %dma_wait3A_38 = tpu.memref_slice %arg3[%add3A, %scan3A_21, %dma_wait3A_37] : memref<32x40x128xi32, #tpu.memory_space<hbm>> -> memref<1x1x128xi32, #tpu.memory_space<hbm>>
        %dma_wait3A_39 = tpu.memref_squeeze %dma_wait3A_38 : memref<1x1x128xi32, #tpu.memory_space<hbm>> -> memref<128xi32, #tpu.memory_space<hbm>>
        tpu.wait_dma2 semaphore(%run_scoped3A : memref<!tpu.dma_semaphore, #tpu.memory_space<semaphore_mem>>) src(%dma_wait3A_39 : memref<128xi32, #tpu.memory_space<hbm>>) dst(%arg6 : memref<128xi32, #tpu.memory_space<vmem>>)
        tpu.yield
      }) : () -> ()
      "tpu.region"() ({
        %run_scoped3A = tpu.sem_alloc : memref<!tpu.dma_semaphore, #tpu.memory_space<semaphore_mem>>
        %dma_start3A_28 = arith.constant 0 : i32
        %dma_start3A_29 = tpu.memref_slice %arg4[%add3A, %scan3A_21, %dma_start3A_28] : memref<32x40x128xi32, #tpu.memory_space<hbm>> -> memref<1x1x128xi32, #tpu.memory_space<hbm>>
        %dma_start3A_30 = tpu.memref_squeeze %dma_start3A_29 : memref<1x1x128xi32, #tpu.memory_space<hbm>> -> memref<128xi32, #tpu.memory_space<hbm>>
        %dma_start3A_31 = arith.constant 0 : i32
        %dma_start3A_32 = tpu.memref_slice %arg4[%add3A, %scan3A_21, %dma_start3A_31] : memref<32x40x128xi32, #tpu.memory_space<hbm>> -> memref<1x1x128xi32, #tpu.memory_space<hbm>>
        %dma_start3A_33 = tpu.memref_squeeze %dma_start3A_32 : memref<1x1x128xi32, #tpu.memory_space<hbm>> -> memref<128xi32, #tpu.memory_space<hbm>>
        tpu.enqueue_dma source(%dma_start3A_33 : memref<128xi32, #tpu.memory_space<hbm>>) target(%arg7 : memref<128xi32, #tpu.memory_space<vmem>>) target_semaphore(%run_scoped3A : memref<!tpu.dma_semaphore, #tpu.memory_space<semaphore_mem>>)
        %dma_wait3A_34 = arith.constant 0 : i32
        %dma_wait3A_35 = tpu.memref_slice %arg4[%add3A, %scan3A_21, %dma_wait3A_34] : memref<32x40x128xi32, #tpu.memory_space<hbm>> -> memref<1x1x128xi32, #tpu.memory_space<hbm>>
        %dma_wait3A_36 = tpu.memref_squeeze %dma_wait3A_35 : memref<1x1x128xi32, #tpu.memory_space<hbm>> -> memref<128xi32, #tpu.memory_space<hbm>>
        %dma_wait3A_37 = arith.constant 0 : i32
        %dma_wait3A_38 = tpu.memref_slice %arg4[%add3A, %scan3A_21, %dma_wait3A_37] : memref<32x40x128xi32, #tpu.memory_space<hbm>> -> memref<1x1x128xi32, #tpu.memory_space<hbm>>
        %dma_wait3A_39 = tpu.memref_squeeze %dma_wait3A_38 : memref<1x1x128xi32, #tpu.memory_space<hbm>> -> memref<128xi32, #tpu.memory_space<hbm>>
        tpu.wait_dma2 semaphore(%run_scoped3A : memref<!tpu.dma_semaphore, #tpu.memory_space<semaphore_mem>>) src(%dma_wait3A_39 : memref<128xi32, #tpu.memory_space<hbm>>) dst(%arg7 : memref<128xi32, #tpu.memory_space<vmem>>)
        tpu.yield
      }) : () -> ()
      %dma_start3A = arith.constant 0 : i32
      %dma_start3A_23 = arith.constant 0 : i32
      %dma_start3A_24 = tpu.memref_slice %arg2[%dma_start3A, %dma_start3A_23] : memref<10240x16xf32, #tpu.memory_space<hbm>> -> memref<10240x16xf32, #tpu.memory_space<hbm>>
      tpu.enqueue_indirect_dma source(%dma_start3A_24 : memref<10240x16xf32, #tpu.memory_space<hbm>>) target(%arg8 : memref<128x16xf32, #tpu.memory_space<vmem>>) offsets(%arg6 : memref<128xi32, #tpu.memory_space<vmem>>) semaphore(%arg11 : memref<!tpu.dma_semaphore, #tpu.memory_space<semaphore_mem>>)
      %dma_wait3A = arith.constant 0 : i32
      %dma_wait3A_25 = arith.constant 0 : i32
      %dma_wait3A_26 = tpu.memref_slice %arg2[%dma_wait3A, %dma_wait3A_25] : memref<10240x16xf32, #tpu.memory_space<hbm>> -> memref<10240x16xf32, #tpu.memory_space<hbm>>
      tpu.wait_indirect_dma semaphore(%arg11 : memref<!tpu.dma_semaphore, #tpu.memory_space<semaphore_mem>>) src(%dma_wait3A_26 : memref<10240x16xf32, #tpu.memory_space<hbm>>) dst(%arg8 : memref<128x16xf32, #tpu.memory_space<vmem>>)
      "tpu.region"() ({
        %run_scoped3A = tpu.sem_alloc : memref<!tpu.dma_semaphore, #tpu.memory_space<semaphore_mem>>
        %dma_start3A_28 = arith.constant 0 : i32
        %dma_start3A_29 = arith.constant 0 : i32
        %dma_start3A_30 = tpu.memref_slice %arg10[%dma_start3A_28, %dma_start3A_29] : memref<10240x16xf32, #tpu.memory_space<vmem_shared>> -> memref<10240x16xf32, #tpu.memory_space<vmem_shared>>
        tpu.enqueue_indirect_dma source(%arg8 : memref<128x16xf32, #tpu.memory_space<vmem>>) target(%dma_start3A_30 : memref<10240x16xf32, #tpu.memory_space<vmem_shared>>) offsets(%arg7 : memref<128xi32, #tpu.memory_space<vmem>>) semaphore(%run_scoped3A : memref<!tpu.dma_semaphore, #tpu.memory_space<semaphore_mem>>) {add = true}
        %dma_wait3A_31 = arith.constant 0 : i32
        %dma_wait3A_32 = arith.constant 0 : i32
        %dma_wait3A_33 = tpu.memref_slice %arg10[%dma_wait3A_31, %dma_wait3A_32] : memref<10240x16xf32, #tpu.memory_space<vmem_shared>> -> memref<10240x16xf32, #tpu.memory_space<vmem_shared>>
        tpu.wait_indirect_dma semaphore(%run_scoped3A : memref<!tpu.dma_semaphore, #tpu.memory_space<semaphore_mem>>) src(%arg8 : memref<128x16xf32, #tpu.memory_space<vmem>>) dst(%dma_wait3A_33 : memref<10240x16xf32, #tpu.memory_space<vmem_shared>>)
        tpu.yield
      }) : () -> ()
      %scan3A_27 = arith.constant 0 : i32
      scf.yield %scan3A_27 : i32
    }
    %scan3A_15 = arith.constant 40 : i32
    %barrier3A_16 = arith.constant 0 : index
    tpu.barrier barrier_id(%barrier3A_16)
    %mul3A_17 = arith.constant 640 : i32
    %mul3A_18 = arith.muli %arg1, %mul3A_17 : i32
    "tpu.region"() ({
      %run_scoped3A = tpu.sem_alloc : memref<!tpu.dma_semaphore, #tpu.memory_space<semaphore_mem>>
      %dma_start3A = arith.constant 0 : i32
      %dma_start3A_21 = tpu.memref_slice %arg10[%mul3A_18, %dma_start3A] : memref<10240x16xf32, #tpu.memory_space<vmem_shared>> -> memref<640x16xf32, #tpu.memory_space<vmem_shared>>
      %dma_start3A_22 = arith.constant 0 : i32
      %dma_start3A_23 = tpu.memref_slice %arg10[%mul3A_18, %dma_start3A_22] : memref<10240x16xf32, #tpu.memory_space<vmem_shared>> -> memref<640x16xf32, #tpu.memory_space<vmem_shared>>
      tpu.enqueue_dma source(%dma_start3A_23 : memref<640x16xf32, #tpu.memory_space<vmem_shared>>) target(%arg9 : memref<640x16xf32, #tpu.memory_space<vmem>>) target_semaphore(%run_scoped3A : memref<!tpu.dma_semaphore, #tpu.memory_space<semaphore_mem>>)
      %dma_wait3A = arith.constant 0 : i32
      %dma_wait3A_24 = tpu.memref_slice %arg10[%mul3A_18, %dma_wait3A] : memref<10240x16xf32, #tpu.memory_space<vmem_shared>> -> memref<640x16xf32, #tpu.memory_space<vmem_shared>>
      %dma_wait3A_25 = arith.constant 0 : i32
      %dma_wait3A_26 = tpu.memref_slice %arg10[%mul3A_18, %dma_wait3A_25] : memref<10240x16xf32, #tpu.memory_space<vmem_shared>> -> memref<640x16xf32, #tpu.memory_space<vmem_shared>>
      tpu.wait_dma2 semaphore(%run_scoped3A : memref<!tpu.dma_semaphore, #tpu.memory_space<semaphore_mem>>) src(%dma_wait3A_26 : memref<640x16xf32, #tpu.memory_space<vmem_shared>>) dst(%arg9 : memref<640x16xf32, #tpu.memory_space<vmem>>)
      tpu.yield
    }) : () -> ()
    %mul3A_19 = arith.constant 640 : i32
    %mul3A_20 = arith.muli %arg1, %mul3A_19 : i32
    "tpu.region"() ({
      %run_scoped3A = tpu.sem_alloc : memref<!tpu.dma_semaphore, #tpu.memory_space<semaphore_mem>>
      %dma_start3A = arith.constant 0 : i32
      %dma_start3A_21 = tpu.memref_slice %arg5[%arg0, %mul3A_20, %dma_start3A] : memref<2x10240x16xf32, #tpu.memory_space<hbm>> -> memref<1x640x16xf32, #tpu.memory_space<hbm>>
      %dma_start3A_22 = tpu.memref_squeeze %dma_start3A_21 : memref<1x640x16xf32, #tpu.memory_space<hbm>> -> memref<640x16xf32, #tpu.memory_space<hbm>>
      %dma_start3A_23 = arith.constant 0 : i32
      %dma_start3A_24 = tpu.memref_slice %arg5[%arg0, %mul3A_20, %dma_start3A_23] : memref<2x10240x16xf32, #tpu.memory_space<hbm>> -> memref<1x640x16xf32, #tpu.memory_space<hbm>>
      %dma_start3A_25 = tpu.memref_squeeze %dma_start3A_24 : memref<1x640x16xf32, #tpu.memory_space<hbm>> -> memref<640x16xf32, #tpu.memory_space<hbm>>
      tpu.enqueue_dma source(%arg9 : memref<640x16xf32, #tpu.memory_space<vmem>>) target(%dma_start3A_25 : memref<640x16xf32, #tpu.memory_space<hbm>>) target_semaphore(%run_scoped3A : memref<!tpu.dma_semaphore, #tpu.memory_space<semaphore_mem>>)
      %dma_wait3A = arith.constant 0 : i32
      %dma_wait3A_26 = tpu.memref_slice %arg5[%arg0, %mul3A_20, %dma_wait3A] : memref<2x10240x16xf32, #tpu.memory_space<hbm>> -> memref<1x640x16xf32, #tpu.memory_space<hbm>>
      %dma_wait3A_27 = tpu.memref_squeeze %dma_wait3A_26 : memref<1x640x16xf32, #tpu.memory_space<hbm>> -> memref<640x16xf32, #tpu.memory_space<hbm>>
      %dma_wait3A_28 = arith.constant 0 : i32
      %dma_wait3A_29 = tpu.memref_slice %arg5[%arg0, %mul3A_20, %dma_wait3A_28] : memref<2x10240x16xf32, #tpu.memory_space<hbm>> -> memref<1x640x16xf32, #tpu.memory_space<hbm>>
      %dma_wait3A_30 = tpu.memref_squeeze %dma_wait3A_29 : memref<1x640x16xf32, #tpu.memory_space<hbm>> -> memref<640x16xf32, #tpu.memory_space<hbm>>
      tpu.wait_dma2 semaphore(%run_scoped3A : memref<!tpu.dma_semaphore, #tpu.memory_space<semaphore_mem>>) src(%arg9 : memref<640x16xf32, #tpu.memory_space<vmem>>) dst(%dma_wait3A_30 : memref<640x16xf32, #tpu.memory_space<hbm>>)
      tpu.yield
    }) : () -> ()
    return
  }
}

module attributes {stable_mosaic.version = 14 : i64} {
  func.func @_tc_pre_body(%arg0: i32, %arg1: memref<1024x256xf32, #tpu.memory_space<vmem>>, %arg2: memref<256x32xf32, #tpu.memory_space<vmem>>, %arg3: memref<1024x2xf32, #tpu.memory_space<vmem>>, %arg4: memref<1024x32xf32, #tpu.memory_space<vmem>>) attributes {dimension_semantics = [#tpu.dimension_semantics<arbitrary>], iteration_bounds = array<i64: 10>, scalar_prefetch = 0 : i64, scratch_operands = 0 : i64, tpu.core_type = #tpu.core_type<tc>, window_params = [{transform_indices = @transform_0, window_bounds = array<i64: 1024, 256>}, {pipeline_mode = #tpu.pipeline_mode<synchronous>, transform_indices = @transform_1, window_bounds = array<i64: 256, 32>}, {transform_indices = @transform_2, window_bounds = array<i64: 1024, 2>}, {transform_indices = @transform_3, window_bounds = array<i64: 1024, 32>}]} {
    %get3A = arith.constant 0 : index
    %get3A_0 = arith.constant 0 : index
    %get3A_1 = vector.load %arg3[%get3A, %get3A_0] : memref<1024x2xf32, #tpu.memory_space<vmem>>, vector<1024x1xf32>
    %get3A_2 = arith.constant 0 : index
    %get3A_3 = arith.constant 1 : index
    %get3A_4 = vector.load %arg3[%get3A_2, %get3A_3] : memref<1024x2xf32, #tpu.memory_space<vmem>>, vector<1024x1xf32>
    %add3A = arith.addf %get3A_1, %get3A_4 : vector<1024x1xf32>
    %add3A_5 = arith.constant 1.000000e+00 : f32
    %add3A_6 = vector.broadcast %add3A_5 : f32 to vector<1024x1xf32>
    %add3A_7 = arith.addf %add3A, %add3A_6 : vector<1024x1xf32>
    %rsqrt3A = math.rsqrt %add3A_7 : vector<1024x1xf32>
    %get3A_8 = arith.constant 0 : index
    %get3A_9 = arith.constant 0 : index
    %get3A_10 = vector.load %arg1[%get3A_8, %get3A_9] : memref<1024x256xf32, #tpu.memory_space<vmem>>, vector<1024x256xf32>
    %get3A_11 = arith.constant 0 : index
    %get3A_12 = arith.constant 0 : index
    %get3A_13 = vector.load %arg2[%get3A_11, %get3A_12] : memref<256x32xf32, #tpu.memory_space<vmem>>, vector<256x32xf32>
    %dot_general3A = arith.constant dense<0.000000e+00> : vector<1024x32xf32>
    %dot_general3A_14 = tpu.matmul %get3A_10, %get3A_13, %dot_general3A {dimension_numbers = #tpu.dot_dimension_numbers<[1], [0], [0], [1], [0, 0, 1, 1], [], []>, transpose_lhs_hint = false} : vector<1024x256xf32>, vector<256x32xf32>, vector<1024x32xf32> -> vector<1024x32xf32>
    %mul3A = vector.broadcast %rsqrt3A : vector<1024x1xf32> to vector<1024x32xf32>
    %mul3A_15 = arith.mulf %dot_general3A_14, %mul3A : vector<1024x32xf32>
    %swap3A = arith.constant 0 : index
    %swap3A_16 = arith.constant 0 : index
    %swap3A_17 = vector.load %arg4[%swap3A, %swap3A_16] : memref<1024x32xf32, #tpu.memory_space<vmem>>, vector<1024x32xf32>
    tpu.vector_store %arg4[%swap3A, %swap3A_16], %mul3A_15 {strides = array<i32>} : memref<1024x32xf32, #tpu.memory_space<vmem>>, vector<1024x32xf32>,
    return
  }
  func.func @transform_0(%arg0: i32) -> (i32, i32) {
    %c0_i32 = arith.constant 0 : i32
    %c0_i32_0 = arith.constant 0 : i32
    return %arg0, %c0_i32 : i32, i32
  }
  func.func @transform_1(%arg0: i32) -> (i32, i32) {
    %c0_i32 = arith.constant 0 : i32
    %c0_i32_0 = arith.constant 0 : i32
    %c0_i32_1 = arith.constant 0 : i32
    return %c0_i32, %c0_i32_0 : i32, i32
  }
  func.func @transform_2(%arg0: i32) -> (i32, i32) {
    %c0_i32 = arith.constant 0 : i32
    %c0_i32_0 = arith.constant 0 : i32
    return %arg0, %c0_i32 : i32, i32
  }
  func.func @transform_3(%arg0: i32) -> (i32, i32) {
    %c0_i32 = arith.constant 0 : i32
    %c0_i32_0 = arith.constant 0 : i32
    return %arg0, %c0_i32 : i32, i32
  }
}

module attributes {stable_mosaic.version = 14 : i64} {
  func.func @_tc_mid_body(%arg0: i32, %arg1: memref<2x1024x32xf32, #tpu.memory_space<vmem>>, %arg2: memref<1024x32xf32, #tpu.memory_space<vmem>>, %arg3: memref<1024x2xf32, #tpu.memory_space<vmem>>, %arg4: memref<32x16xf32, #tpu.memory_space<vmem>>, %arg5: memref<1x32xf32, #tpu.memory_space<vmem>>, %arg6: memref<1024x16xf32, #tpu.memory_space<vmem>>) attributes {dimension_semantics = [#tpu.dimension_semantics<arbitrary>], iteration_bounds = array<i64: 10>, scalar_prefetch = 0 : i64, scratch_operands = 0 : i64, tpu.core_type = #tpu.core_type<tc>, window_params = [{transform_indices = @transform_0, window_bounds = array<i64: 2, 1024, 32>}, {transform_indices = @transform_1, window_bounds = array<i64: 1024, 32>}, {transform_indices = @transform_2, window_bounds = array<i64: 1024, 2>}, {pipeline_mode = #tpu.pipeline_mode<synchronous>, transform_indices = @transform_3, window_bounds = array<i64: 32, 16>}, {pipeline_mode = #tpu.pipeline_mode<synchronous>, transform_indices = @transform_4, window_bounds = array<i64: 1, 32>}, {transform_indices = @transform_5, window_bounds = array<i64: 1024, 16>}]} {
    %get3A = arith.constant 0 : index
    %get3A_0 = arith.constant 0 : index
    %get3A_1 = vector.load %arg3[%get3A, %get3A_0] : memref<1024x2xf32, #tpu.memory_space<vmem>>, vector<1024x1xf32>
    %get3A_2 = arith.constant 0 : index
    %get3A_3 = arith.constant 1 : index
    %get3A_4 = vector.load %arg3[%get3A_2, %get3A_3] : memref<1024x2xf32, #tpu.memory_space<vmem>>, vector<1024x1xf32>
    %add3A = arith.addf %get3A_1, %get3A_4 : vector<1024x1xf32>
    %add3A_5 = arith.constant 1.000000e+00 : f32
    %add3A_6 = vector.broadcast %add3A_5 : f32 to vector<1024x1xf32>
    %add3A_7 = arith.addf %add3A, %add3A_6 : vector<1024x1xf32>
    %rsqrt3A = math.rsqrt %add3A_7 : vector<1024x1xf32>
    %get3A_8 = arith.constant 0 : index
    %get3A_9 = arith.constant 0 : index
    %get3A_10 = arith.constant 0 : index
    %get3A_11 = vector.load %arg1[%get3A_8, %get3A_9, %get3A_10] : memref<2x1024x32xf32, #tpu.memory_space<vmem>>, vector<1x1024x32xf32>
    %get3A_12 = vector.shape_cast %get3A_11 : vector<1x1024x32xf32> to vector<1024x32xf32>
    %get3A_13 = arith.constant 1 : index
    %get3A_14 = arith.constant 0 : index
    %get3A_15 = arith.constant 0 : index
    %get3A_16 = vector.load %arg1[%get3A_13, %get3A_14, %get3A_15] : memref<2x1024x32xf32, #tpu.memory_space<vmem>>, vector<1x1024x32xf32>
    %get3A_17 = vector.shape_cast %get3A_16 : vector<1x1024x32xf32> to vector<1024x32xf32>
    %add3A_18 = arith.addf %get3A_12, %get3A_17 : vector<1024x32xf32>
    %get3A_19 = arith.constant 0 : index
    %get3A_20 = arith.constant 0 : index
    %get3A_21 = vector.load %arg2[%get3A_19, %get3A_20] : memref<1024x32xf32, #tpu.memory_space<vmem>>, vector<1024x32xf32>
    %add3A_22 = arith.addf %add3A_18, %get3A_21 : vector<1024x32xf32>
    %mul3A = vector.broadcast %rsqrt3A : vector<1024x1xf32> to vector<1024x32xf32>
    %mul3A_23 = arith.mulf %add3A_22, %mul3A : vector<1024x32xf32>
    %get3A_24 = arith.constant 0 : index
    %get3A_25 = arith.constant 0 : index
    %get3A_26 = vector.load %arg5[%get3A_24, %get3A_25] : memref<1x32xf32, #tpu.memory_space<vmem>>, vector<1x32xf32>
    %add3A_27 = vector.broadcast %get3A_26 : vector<1x32xf32> to vector<1024x32xf32>
    %add3A_28 = arith.addf %mul3A_23, %add3A_27 : vector<1024x32xf32>
    %max3A = arith.constant 0.000000e+00 : f32
    %max3A_29 = vector.broadcast %max3A : f32 to vector<1024x32xf32>
    %max3A_30 = arith.maximumf %add3A_28, %max3A_29 : vector<1024x32xf32>
    %get3A_31 = arith.constant 0 : index
    %get3A_32 = arith.constant 0 : index
    %get3A_33 = vector.load %arg4[%get3A_31, %get3A_32] : memref<32x16xf32, #tpu.memory_space<vmem>>, vector<32x16xf32>
    %dot_general3A = arith.constant dense<0.000000e+00> : vector<1024x16xf32>
    %dot_general3A_34 = tpu.matmul %max3A_30, %get3A_33, %dot_general3A {dimension_numbers = #tpu.dot_dimension_numbers<[1], [0], [0], [1], [0, 0, 1, 1], [], []>, transpose_lhs_hint = false} : vector<1024x32xf32>, vector<32x16xf32>, vector<1024x16xf32> -> vector<1024x16xf32>
    %mul3A_35 = vector.broadcast %rsqrt3A : vector<1024x1xf32> to vector<1024x16xf32>
    %mul3A_36 = arith.mulf %dot_general3A_34, %mul3A_35 : vector<1024x16xf32>
    %swap3A = arith.constant 0 : index
    %swap3A_37 = arith.constant 0 : index
    %swap3A_38 = vector.load %arg6[%swap3A, %swap3A_37] : memref<1024x16xf32, #tpu.memory_space<vmem>>, vector<1024x16xf32>
    tpu.vector_store %arg6[%swap3A, %swap3A_37], %mul3A_36 {strides = array<i32>} : memref<1024x16xf32, #tpu.memory_space<vmem>>, vector<1024x16xf32>,
    return
  }
  func.func @transform_0(%arg0: i32) -> (i32, i32, i32) {
    %c0_i32 = arith.constant 0 : i32
    %c0_i32_0 = arith.constant 0 : i32
    %c0_i32_1 = arith.constant 0 : i32
    return %c0_i32, %arg0, %c0_i32_0 : i32, i32, i32
  }
  func.func @transform_1(%arg0: i32) -> (i32, i32) {
    %c0_i32 = arith.constant 0 : i32
    %c0_i32_0 = arith.constant 0 : i32
    return %arg0, %c0_i32 : i32, i32
  }
  func.func @transform_2(%arg0: i32) -> (i32, i32) {
    %c0_i32 = arith.constant 0 : i32
    %c0_i32_0 = arith.constant 0 : i32
    return %arg0, %c0_i32 : i32, i32
  }
  func.func @transform_3(%arg0: i32) -> (i32, i32) {
    %c0_i32 = arith.constant 0 : i32
    %c0_i32_0 = arith.constant 0 : i32
    %c0_i32_1 = arith.constant 0 : i32
    return %c0_i32, %c0_i32_0 : i32, i32
  }
  func.func @transform_4(%arg0: i32) -> (i32, i32) {
    %c0_i32 = arith.constant 0 : i32
    %c0_i32_0 = arith.constant 0 : i32
    %c0_i32_1 = arith.constant 0 : i32
    return %c0_i32, %c0_i32_0 : i32, i32
  }
  func.func @transform_5(%arg0: i32) -> (i32, i32) {
    %c0_i32 = arith.constant 0 : i32
    %c0_i32_0 = arith.constant 0 : i32
    return %arg0, %c0_i32 : i32, i32
  }
}

module attributes {stable_mosaic.version = 14 : i64} {
  func.func @_tc_mid_body(%arg0: i32, %arg1: memref<2x1024x16xf32, #tpu.memory_space<vmem>>, %arg2: memref<1024x16xf32, #tpu.memory_space<vmem>>, %arg3: memref<1024x2xf32, #tpu.memory_space<vmem>>, %arg4: memref<16x16xf32, #tpu.memory_space<vmem>>, %arg5: memref<1x16xf32, #tpu.memory_space<vmem>>, %arg6: memref<1024x16xf32, #tpu.memory_space<vmem>>) attributes {dimension_semantics = [#tpu.dimension_semantics<arbitrary>], iteration_bounds = array<i64: 10>, scalar_prefetch = 0 : i64, scratch_operands = 0 : i64, tpu.core_type = #tpu.core_type<tc>, window_params = [{transform_indices = @transform_0, window_bounds = array<i64: 2, 1024, 16>}, {transform_indices = @transform_1, window_bounds = array<i64: 1024, 16>}, {transform_indices = @transform_2, window_bounds = array<i64: 1024, 2>}, {pipeline_mode = #tpu.pipeline_mode<synchronous>, transform_indices = @transform_3, window_bounds = array<i64: 16, 16>}, {pipeline_mode = #tpu.pipeline_mode<synchronous>, transform_indices = @transform_4, window_bounds = array<i64: 1, 16>}, {transform_indices = @transform_5, window_bounds = array<i64: 1024, 16>}]} {
    %get3A = arith.constant 0 : index
    %get3A_0 = arith.constant 0 : index
    %get3A_1 = vector.load %arg3[%get3A, %get3A_0] : memref<1024x2xf32, #tpu.memory_space<vmem>>, vector<1024x1xf32>
    %get3A_2 = arith.constant 0 : index
    %get3A_3 = arith.constant 1 : index
    %get3A_4 = vector.load %arg3[%get3A_2, %get3A_3] : memref<1024x2xf32, #tpu.memory_space<vmem>>, vector<1024x1xf32>
    %add3A = arith.addf %get3A_1, %get3A_4 : vector<1024x1xf32>
    %add3A_5 = arith.constant 1.000000e+00 : f32
    %add3A_6 = vector.broadcast %add3A_5 : f32 to vector<1024x1xf32>
    %add3A_7 = arith.addf %add3A, %add3A_6 : vector<1024x1xf32>
    %rsqrt3A = math.rsqrt %add3A_7 : vector<1024x1xf32>
    %get3A_8 = arith.constant 0 : index
    %get3A_9 = arith.constant 0 : index
    %get3A_10 = arith.constant 0 : index
    %get3A_11 = vector.load %arg1[%get3A_8, %get3A_9, %get3A_10] : memref<2x1024x16xf32, #tpu.memory_space<vmem>>, vector<1x1024x16xf32>
    %get3A_12 = vector.shape_cast %get3A_11 : vector<1x1024x16xf32> to vector<1024x16xf32>
    %get3A_13 = arith.constant 1 : index
    %get3A_14 = arith.constant 0 : index
    %get3A_15 = arith.constant 0 : index
    %get3A_16 = vector.load %arg1[%get3A_13, %get3A_14, %get3A_15] : memref<2x1024x16xf32, #tpu.memory_space<vmem>>, vector<1x1024x16xf32>
    %get3A_17 = vector.shape_cast %get3A_16 : vector<1x1024x16xf32> to vector<1024x16xf32>
    %add3A_18 = arith.addf %get3A_12, %get3A_17 : vector<1024x16xf32>
    %get3A_19 = arith.constant 0 : index
    %get3A_20 = arith.constant 0 : index
    %get3A_21 = vector.load %arg2[%get3A_19, %get3A_20] : memref<1024x16xf32, #tpu.memory_space<vmem>>, vector<1024x16xf32>
    %add3A_22 = arith.addf %add3A_18, %get3A_21 : vector<1024x16xf32>
    %mul3A = vector.broadcast %rsqrt3A : vector<1024x1xf32> to vector<1024x16xf32>
    %mul3A_23 = arith.mulf %add3A_22, %mul3A : vector<1024x16xf32>
    %get3A_24 = arith.constant 0 : index
    %get3A_25 = arith.constant 0 : index
    %get3A_26 = vector.load %arg5[%get3A_24, %get3A_25] : memref<1x16xf32, #tpu.memory_space<vmem>>, vector<1x16xf32>
    %add3A_27 = vector.broadcast %get3A_26 : vector<1x16xf32> to vector<1024x16xf32>
    %add3A_28 = arith.addf %mul3A_23, %add3A_27 : vector<1024x16xf32>
    %max3A = arith.constant 0.000000e+00 : f32
    %max3A_29 = vector.broadcast %max3A : f32 to vector<1024x16xf32>
    %max3A_30 = arith.maximumf %add3A_28, %max3A_29 : vector<1024x16xf32>
    %get3A_31 = arith.constant 0 : index
    %get3A_32 = arith.constant 0 : index
    %get3A_33 = vector.load %arg4[%get3A_31, %get3A_32] : memref<16x16xf32, #tpu.memory_space<vmem>>, vector<16x16xf32>
    %dot_general3A = arith.constant dense<0.000000e+00> : vector<1024x16xf32>
    %dot_general3A_34 = tpu.matmul %max3A_30, %get3A_33, %dot_general3A {dimension_numbers = #tpu.dot_dimension_numbers<[1], [0], [0], [1], [0, 0, 1, 1], [], []>, transpose_lhs_hint = false} : vector<1024x16xf32>, vector<16x16xf32>, vector<1024x16xf32> -> vector<1024x16xf32>
    %mul3A_35 = vector.broadcast %rsqrt3A : vector<1024x1xf32> to vector<1024x16xf32>
    %mul3A_36 = arith.mulf %dot_general3A_34, %mul3A_35 : vector<1024x16xf32>
    %swap3A = arith.constant 0 : index
    %swap3A_37 = arith.constant 0 : index
    %swap3A_38 = vector.load %arg6[%swap3A, %swap3A_37] : memref<1024x16xf32, #tpu.memory_space<vmem>>, vector<1024x16xf32>
    tpu.vector_store %arg6[%swap3A, %swap3A_37], %mul3A_36 {strides = array<i32>} : memref<1024x16xf32, #tpu.memory_space<vmem>>, vector<1024x16xf32>,
    return
  }
  func.func @transform_0(%arg0: i32) -> (i32, i32, i32) {
    %c0_i32 = arith.constant 0 : i32
    %c0_i32_0 = arith.constant 0 : i32
    %c0_i32_1 = arith.constant 0 : i32
    return %c0_i32, %arg0, %c0_i32_0 : i32, i32, i32
  }
  func.func @transform_1(%arg0: i32) -> (i32, i32) {
    %c0_i32 = arith.constant 0 : i32
    %c0_i32_0 = arith.constant 0 : i32
    return %arg0, %c0_i32 : i32, i32
  }
  func.func @transform_2(%arg0: i32) -> (i32, i32) {
    %c0_i32 = arith.constant 0 : i32
    %c0_i32_0 = arith.constant 0 : i32
    return %arg0, %c0_i32 : i32, i32
  }
  func.func @transform_3(%arg0: i32) -> (i32, i32) {
    %c0_i32 = arith.constant 0 : i32
    %c0_i32_0 = arith.constant 0 : i32
    %c0_i32_1 = arith.constant 0 : i32
    return %c0_i32, %c0_i32_0 : i32, i32
  }
  func.func @transform_4(%arg0: i32) -> (i32, i32) {
    %c0_i32 = arith.constant 0 : i32
    %c0_i32_0 = arith.constant 0 : i32
    %c0_i32_1 = arith.constant 0 : i32
    return %c0_i32, %c0_i32_0 : i32, i32
  }
  func.func @transform_5(%arg0: i32) -> (i32, i32) {
    %c0_i32 = arith.constant 0 : i32
    %c0_i32_0 = arith.constant 0 : i32
    return %arg0, %c0_i32 : i32, i32
  }
}

module attributes {stable_mosaic.version = 14 : i64} {
  func.func @_tc_post_body(%arg0: i32, %arg1: memref<2x1024x16xf32, #tpu.memory_space<vmem>>, %arg2: memref<1024x16xf32, #tpu.memory_space<vmem>>, %arg3: memref<1024x2xf32, #tpu.memory_space<vmem>>, %arg4: memref<1x16xf32, #tpu.memory_space<vmem>>, %arg5: memref<1024x16xf32, #tpu.memory_space<vmem>>) attributes {dimension_semantics = [#tpu.dimension_semantics<arbitrary>], iteration_bounds = array<i64: 10>, scalar_prefetch = 0 : i64, scratch_operands = 0 : i64, tpu.core_type = #tpu.core_type<tc>, window_params = [{transform_indices = @transform_0, window_bounds = array<i64: 2, 1024, 16>}, {transform_indices = @transform_1, window_bounds = array<i64: 1024, 16>}, {transform_indices = @transform_2, window_bounds = array<i64: 1024, 2>}, {pipeline_mode = #tpu.pipeline_mode<synchronous>, transform_indices = @transform_3, window_bounds = array<i64: 1, 16>}, {transform_indices = @transform_4, window_bounds = array<i64: 1024, 16>}]} {
    %get3A = arith.constant 0 : index
    %get3A_0 = arith.constant 0 : index
    %get3A_1 = vector.load %arg3[%get3A, %get3A_0] : memref<1024x2xf32, #tpu.memory_space<vmem>>, vector<1024x1xf32>
    %get3A_2 = arith.constant 0 : index
    %get3A_3 = arith.constant 1 : index
    %get3A_4 = vector.load %arg3[%get3A_2, %get3A_3] : memref<1024x2xf32, #tpu.memory_space<vmem>>, vector<1024x1xf32>
    %add3A = arith.addf %get3A_1, %get3A_4 : vector<1024x1xf32>
    %add3A_5 = arith.constant 1.000000e+00 : f32
    %add3A_6 = vector.broadcast %add3A_5 : f32 to vector<1024x1xf32>
    %add3A_7 = arith.addf %add3A, %add3A_6 : vector<1024x1xf32>
    %rsqrt3A = math.rsqrt %add3A_7 : vector<1024x1xf32>
    %get3A_8 = arith.constant 0 : index
    %get3A_9 = arith.constant 0 : index
    %get3A_10 = arith.constant 0 : index
    %get3A_11 = vector.load %arg1[%get3A_8, %get3A_9, %get3A_10] : memref<2x1024x16xf32, #tpu.memory_space<vmem>>, vector<1x1024x16xf32>
    %get3A_12 = vector.shape_cast %get3A_11 : vector<1x1024x16xf32> to vector<1024x16xf32>
    %get3A_13 = arith.constant 1 : index
    %get3A_14 = arith.constant 0 : index
    %get3A_15 = arith.constant 0 : index
    %get3A_16 = vector.load %arg1[%get3A_13, %get3A_14, %get3A_15] : memref<2x1024x16xf32, #tpu.memory_space<vmem>>, vector<1x1024x16xf32>
    %get3A_17 = vector.shape_cast %get3A_16 : vector<1x1024x16xf32> to vector<1024x16xf32>
    %add3A_18 = arith.addf %get3A_12, %get3A_17 : vector<1024x16xf32>
    %get3A_19 = arith.constant 0 : index
    %get3A_20 = arith.constant 0 : index
    %get3A_21 = vector.load %arg2[%get3A_19, %get3A_20] : memref<1024x16xf32, #tpu.memory_space<vmem>>, vector<1024x16xf32>
    %add3A_22 = arith.addf %add3A_18, %get3A_21 : vector<1024x16xf32>
    %mul3A = vector.broadcast %rsqrt3A : vector<1024x1xf32> to vector<1024x16xf32>
    %mul3A_23 = arith.mulf %add3A_22, %mul3A : vector<1024x16xf32>
    %get3A_24 = arith.constant 0 : index
    %get3A_25 = arith.constant 0 : index
    %get3A_26 = vector.load %arg4[%get3A_24, %get3A_25] : memref<1x16xf32, #tpu.memory_space<vmem>>, vector<1x16xf32>
    %add3A_27 = vector.broadcast %get3A_26 : vector<1x16xf32> to vector<1024x16xf32>
    %add3A_28 = arith.addf %mul3A_23, %add3A_27 : vector<1024x16xf32>
    %swap3A = arith.constant 0 : index
    %swap3A_29 = arith.constant 0 : index
    %swap3A_30 = vector.load %arg5[%swap3A, %swap3A_29] : memref<1024x16xf32, #tpu.memory_space<vmem>>, vector<1024x16xf32>
    tpu.vector_store %arg5[%swap3A, %swap3A_29], %add3A_28 {strides = array<i32>} : memref<1024x16xf32, #tpu.memory_space<vmem>>, vector<1024x16xf32>,
    return
  }
  func.func @transform_0(%arg0: i32) -> (i32, i32, i32) {
    %c0_i32 = arith.constant 0 : i32
    %c0_i32_0 = arith.constant 0 : i32
    %c0_i32_1 = arith.constant 0 : i32
    return %c0_i32, %arg0, %c0_i32_0 : i32, i32, i32
  }
  func.func @transform_1(%arg0: i32) -> (i32, i32) {
    %c0_i32 = arith.constant 0 : i32
    %c0_i32_0 = arith.constant 0 : i32
    return %arg0, %c0_i32 : i32, i32
  }
  func.func @transform_2(%arg0: i32) -> (i32, i32) {
    %c0_i32 = arith.constant 0 : i32
    %c0_i32_0 = arith.constant 0 : i32
    return %arg0, %c0_i32 : i32, i32
  }
  func.func @transform_3(%arg0: i32) -> (i32, i32) {
    %c0_i32 = arith.constant 0 : i32
    %c0_i32_0 = arith.constant 0 : i32
    %c0_i32_1 = arith.constant 0 : i32
    return %c0_i32, %c0_i32_0 : i32, i32
  }
  func.func @transform_4(%arg0: i32) -> (i32, i32) {
    %c0_i32 = arith.constant 0 : i32
    %c0_i32_0 = arith.constant 0 : i32
    return %arg0, %c0_i32 : i32, i32
  }
}

</mosaic_0001>

<sc_bundles>
// kernel: kernel.10.cloned.1.call-start
scs
__scs_entry_jumppad:
0x0: {  	(pc) =	sbr.rel $0x88, $3  }
0x1: {  	(tag) =	ssettag $0x0;
	lr =	simm.s32 $0x1  }
0x2: {  	[smem:$0x3F99] =	sst lr;
	_ =	strace $0xD0000000  }
0x3: {  	_ = 	snop  }
0x4: {  	_ = 	snop  }
0x5: {  	_ = 	snop  }
0x6: {  	_ = 	snop  }
0x7: {  	_ = 	snop  }
__scs_overlays_trampoline_lowered:
0x8: {  	[smem:$0x3FA8] =	sst s0  }
0x9: {  	[smem:$0x3FA9] =	sst s1  }
0xa: {  	[smem:$0x3FAA] =	sst s2  }
0xb: {  	[smem:$0x3FAB] =	sst s3  }
0xc: {  	[smem:$0x3FAC] =	sst s4  }
0xd: {  	[smem:$0x3FAD] =	sst s5  }
0xe: {  	[smem:$0x3FAE] =	sst s6  }
0xf: {  	[smem:$0x3FAF] =	sst s7  }
0x10: {  	[smem:$0x3FB0] =	sst s8  }
0x11: {  	[smem:$0x3FB1] =	sst s9;
	s0 =	simm.s32 @!p0 $0x0  }
0x12: {  	s1 =	sld [smem:$0x3F97];
	s0 =	simm.s32 @p0 $0x1  }
0x13: {  	[smem:$0x3FB2] =	sst s0;
	s0 =	simm.s32 @!p1 $0x0  }
0x14: {  	s2 =	sld [smem:$0x3F96];
	s0 =	simm.s32 @p1 $0x1  }
0x15: {  	[smem:$0x3FB3] =	sst s0;
	s0 =	simm.s32 @!p2 $0x0  }
0x16: {  	s3 =	sld [smem:$0x3FDB];
	s0 =	simm.s32 @p2 $0x1  }
0x17: {  	s4 =	simm.s32 $0x1BF5;
	[smem:$0x3FB5] =	sst s0  }
0x18: {  	s0 =	sld [smem:$0x3F98];
	_ =	swait.ge [sflag:s4], $0x0  }
0x19: {  	s7 =	sld [smem:$0x3F99]  }
0x1a: {  	s8 =	sadd.s32 $0xFFFFE003, lr  }
0x1b: {  	s9 =	sadd.s32 $0xFFFFFEF7, lr;
	s5 =	simm.s32 $0xFFFFFFFF;
	p2 =	slt.u32 s8, $0xFFFFF086  }
0x1c: {  	p1 =	slt.u32 s9, $0xF7A;
	s5 =	simm.s32 @!p2 $0x0  }
0x1d: {  	s5 =	simm.s32 @p1 $0x1;
	p0 =	seq.s32 s7, s2  }
0x1e: {  	s7 =	smul.u32 @!p0 $0xF7A, s2;
	p2 =	seq.s32 @!p0 s5, $0x0  }
0x1f: {  	s9 =	smul.u32 $0xF7A, s1;
	s8 =	simm.s32 @!p0 $0x1BF5;
	p2 =	por !p2, p0  }
0x20: {  	[sflag:s8] =	ssyncset.s32 @!p0 $0xFFFFF086;
	s6 =	sadd.s32 @!p0 s3, s7;
	s7 =	simm.s32 @!p0 $0x108  }
0x21: {  	s3 =	sadd.s32 s3, s9;
	s6 =	sadd.s32 @!p0 $0x88, s6;
	s7 =	simm.s32 @p2 $0x1082  }
0x22: {  	[simem:s7], [sflag:s8] =	dma.local @!p0 [hbm:s6], $0xF7A  }
0x23: {  	s9 =	sor.u32 $0xD0000000, s2;
	s6 =	simm.s32 $0x108;
	_ =	swait.ge @!p0 [sflag:s8], $0x0  }
0x24: {  	s3 =	sadd.s32 $0x88, s3;
	s6 =	simm.s32 @!p1 $0x1082;
	[sflag:s4] =	ssyncset.s32 $0xFFFFF086  }
0x25: {  	[simem:s6], [sflag:s4] =	dma.local [hbm:s3], $0xF7A  }
0x26: {  	[smem:$0x3F99] =	sst s1;
	(tag) =	ssettag s2;
	_ =	strace s9  }
0x27: {  	s1 =	sld [smem:$0x3FA9]  }
0x28: {  	s2 =	sld [smem:$0x3FAA]  }
0x29: {  	s4 =	sld [smem:$0x3FAC]  }
0x2a: {  	p0 =	seq.s32 s5, $0x0;
	s5 =	sld [smem:$0x3FAD]  }
0x2b: {  	s6 =	sld [smem:$0x3FAE]  }
0x2c: {  	s7 =	sld [smem:$0x3FAF]  }
0x2d: {  	s3 =	simm.s32 $0x108;
	s8 =	sld [smem:$0x3FB0]  }
0x2e: {  	s3 =	simm.s32 @!p0 $0x1082;
	s9 =	sld [smem:$0x3FB1]  }
0x2f: {  	lr =	sadd.s32 s0, s3;
	s0 =	sld [smem:$0x3FA8]  }
0x30: {  	s3 =	sld [smem:$0x3FAB]  }
0x31: {  	[smem:$0x3FB4] =	sst s10  }
0x32: {  	s10 =	sld [smem:$0x3FB2];
	_ =	sdelay $0x3  }
0x33: {  	p0 =	seq.s32 s10, $0x1;
	s10 =	sld [smem:$0x3FB4];
	_ =	sdelay $0x3  }
0x34: {  	[smem:$0x3FB4] =	sst s10  }
0x35: {  	s10 =	sld [smem:$0x3FB3];
	_ =	sdelay $0x3  }
0x36: {  	p1 =	seq.s32 s10, $0x1;
	s10 =	sld [smem:$0x3FB4];
	_ =	sdelay $0x3  }
0x37: {  	[smem:$0x3FB4] =	sst s10  }
0x38: {  	s10 =	sld [smem:$0x3FB5]  }
0x39: {  	_ = 	snop;
	(pc) =	sbr.ind lr, $3  }
0x3a: {  	_ = 	snop  }
0x3b: {  	_ = 	snop  }
0x3c: {  	p2 =	seq.s32 s10, $0x1;
	s10 =	sld [smem:$0x3FB4]  }
0x3d: {  	_ =	shalt  }
0x3e: {  	_ =	shalt  }
0x3f: {  	_ =	shalt  }
0x40: {  	_ =	shalt  }
0x41: {  	_ =	shalt  }
0x42: {  	_ =	shalt  }
0x43: {  	_ =	shalt  }
0x44: {  	_ =	shalt  }
0x45: {  	_ =	shalt  }
0x46: {  	_ =	shalt  }
0x47: {  	_ =	shalt  }
0x48: {  	_ =	shalt  }
0x49: {  	_ =	shalt  }
0x4a: {  	_ =	shalt  }
0x4b: {  	_ =	shalt  }
0x4c: {  	_ =	shalt  }
0x4d: {  	_ =	shalt  }
0x4e: {  	_ =	shalt  }
0x4f: {  	_ =	shalt  }
0x50: {  	_ =	shalt  }
0x51: {  	_ =	shalt  }
0x52: {  	_ =	shalt  }
0x53: {  	_ =	shalt  }
0x54: {  	_ =	shalt  }
0x55: {  	_ =	shalt  }
0x56: {  	_ =	shalt  }
0x57: {  	_ =	shalt  }
0x58: {  	_ =	shalt  }
0x59: {  	_ =	shalt  }
0x5a: {  	_ =	shalt  }
0x5b: {  	_ =	shalt  }
0x5c: {  	_ =	shalt  }
0x5d: {  	_ =	shalt  }
0x5e: {  	_ =	shalt  }
0x5f: {  	_ =	shalt  }
0x60: {  	_ =	shalt  }
0x61: {  	_ =	shalt  }
0x62: {  	_ =	shalt  }
0x63: {  	_ =	shalt  }
0x64: {  	_ =	shalt  }
0x65: {  	_ =	shalt  }
0x66: {  	_ =	shalt  }
0x67: {  	_ =	shalt  }
0x68: {  	_ =	shalt  }
0x69: {  	_ =	shalt  }
0x6a: {  	_ =	shalt  }
0x6b: {  	_ =	shalt  }
0x6c: {  	_ =	shalt  }
0x6d: {  	_ =	shalt  }
0x6e: {  	_ =	shalt  }
0x6f: {  	_ =	shalt  }
0x70: {  	_ =	shalt  }
0x71: {  	_ =	shalt  }
0x72: {  	_ =	shalt  }
0x73: {  	_ =	shalt  }
0x74: {  	_ =	shalt  }
0x75: {  	_ =	shalt  }
0x76: {  	_ =	shalt  }
0x77: {  	_ =	shalt  }
0x78: {  	_ =	shalt  }
0x79: {  	_ =	shalt  }
0x7a: {  	_ =	shalt  }
0x7b: {  	_ =	shalt  }
0x7c: {  	_ =	shalt  }
0x7d: {  	_ =	shalt  }
0x7e: {  	_ =	shalt  }
0x7f: {  	_ =	shalt  }
0x80: {  	_ =	shalt  }
0x81: {  	_ =	shalt  }
0x82: {  	_ =	shalt  }
0x83: {  	_ =	shalt  }
0x84: {  	_ =	shalt  }
0x85: {  	_ =	shalt  }
0x86: {  	_ =	shalt  }
0x87: {  	_ =	shalt  }
.Lfunc_end0:
.L_simem_size_0:
called_computation_lowered:
.L_overlay_start_0:
0x88: {  	s2 =	sld [smem:$0x3FD9]  }
0x89: {  	s3 =	sld [smem:$0x3FFE];
	_ =	sdelay $0x1  }
0x8a: {  	s1 =	srdreg.scid  }
0x8b: {  	s0 =	sand.u32 $0x1, s1  }
0x8c: {  	s17 =	sshll.u32 s0, $0xA;
	s2 =	sadd.s32 s3, s2  }
0x8d: {  	s2 =	sadd.s32 s2, s17  }
0x8e: {  	[smem:$0x3FC0] =	sst s2  }
0x8f: {  	_ = 	snop  }
0x90: {  	s2 =	sld [smem:$0x3FD0];
	(tm) =	ssettm $0x1  }
0x91: {  	s18 =	sld [smem:$0x3FFB];
	_ =	sdelay $0x3  }
0x92: {  	_ =	strace s18  }
0x93: {  	s3 =	sld [smem:$0x3FFC];
	_ =	sdelay $0x3  }
0x94: {  	_ =	strace s3  }
0x95: {  	s3 =	sld [smem:$0x3FFD];
	_ =	sdelay $0x3  }
0x96: {  	_ =	strace s3  }
0x97: {  	_ =	strace $0x8FFFFFFF  }
0x98: {  	s19 =	sld [smem:$0x3FDB];
	_ =	sdelay $0x1  }
0x99: {  	s4 =	simm.s32 $_scs_section_size  }
0x9a: {  	s5 =	simm.s32 $_size__tile_overlayer_lowered;
	s6 =	simm.s32 $_tile_overlayer_lowered  }
0x9b: {  	s22 =	simm.s32 $0x1BFF;
	s21 =	sshll.u32 s6, $0x1;
	s3 =	sadd.s32 s4, s19  }
0x9c: {  	s7 =	simm.s32 $0x0;
	s20 =	sshll.u32 s5, $0x1;
	s5 =	sadd.s32 s21, s3  }
0x9d: {  	[timem:s7], [sflag:s22] =	dma.local [hbm:s5], s20  }
0x9e: {  	_ =	swait.ge [sflag:s22], s20  }
0x9f: {  	s4 =	ssub.s32 $0x0, s20;
	[sflag:s22] =	ssyncset.done $0x0  }
0xa0: {  	[sflag:s22] =	ssyncadd.s32 s4;
	_ =	sdelay $0x1  }
0xa1: {  	s23 =	simm.s32 $0x1B8B  }
0xa2: {  	_ =	swait.ge [sflag:s23], $0x1  }
0xa3: {  	[sflag:s23] =	ssyncset.done $0x0  }
0xa4: {  	s25 =	simm.s32 $0x1B8E;
	s24 =	sld [smem:$0x3FFE];
	[sflag:s23] =	ssyncadd.s32 $0xFFFFFFFF  }
0xa5: {  	s26 =	simm.s32 $execute0_lowered;
	[smem:$0x3FD2] =	sst s25  }
0xa6: {  	s5 =	sshll.u32 s26, $0x1;
	_ =	strace $0x80000046;
	[dreg:$0x1] =	wrdreg $0xFFFFFFFF  }
0xa7: {  	s28 =	simm.s32 $_size_execute0_lowered;
	s3 =	sadd.s32 s3, s5;
	[dreg:$0x0] =	wrdreg $0x0  }
0xa8: {  	s5 =	sshll.u32 s28, $0x1;
	[dreg:$0x2] =	wrdreg s3  }
0xa9: {  	[dreg:$0x3] =	wrdreg s5  }
0xaa: {  	[dreg:$0x4] =	wrdreg $0xC0  }
0xab: {  	_ =	task [dreg:s7], $0x5FFFF  }
0xac: {  	[dreg:$0x1] =	wrdreg $0xFFFFFFFF  }
0xad: {  	[dreg:$0x0] =	wrdreg $0x60  }
0xae: {  	[dreg:$0x2] =	wrdreg s24  }
0xaf: {  	[dreg:$0x3] =	wrdreg s2  }
0xb0: {  	[dreg:$0x4] =	wrdreg $0x3800  }
0xb1: {  	[dreg:$0x5] =	wrdreg $0x9  }
0xb2: {  	_ =	task.clear_ibuf [dreg:s7], $0x6FFFF;
	_ =	strace $0x90000046  }
0xb3: {  	s29 =	simm.s32 $0x9;
	_ =	strace $0x80000048  }
0xb4: {  	_ =	swait.ge [sflag:s29], $0x1  }
0xb5: {  	[sflag:s29] =	ssyncadd.s32 $0xFFFFFFFF  }
0xb6: {  	_ =	strace $0x90000048  }
0xb7: {  	_ =	sfence  }
0xb8: {  	s30 =	sld [smem:$0x0];
	_ =	sdelay $0x2  }
0xb9: {  	s31 =	sshll.u32 s1, $0xD;
	s1 =	sshrl.u32 s1, $0x2  }
0xba: {  	s3 =	sand.u32 $0x4000, s31;
	s1 =	sadd.s32 s1, s30  }
0xbb: {  	s0 =	sor.u32 s3, s0;
	s1 =	sshll.u32 s1, $0x11  }
0xbc: {  	s0 =	sor.u32 s1, s0  }
0xbd: {  	s0 =	sadd.s32 $0x8F2B, s0  }
0xbe: {  	[sflag:s0] =	ssyncadd.remote.s32 $0x1  }
0xbf: {  	_ =	sfence.sel $0xFFFF  }
0xc0: {  	[dreg:$0x0] =	wrdreg $0xFFFFFFFF;
	(pc) =	sbr.abs _section_cstart, $3  }
0xc1: {  	[dreg:$0x1] =	wrdreg $0xFFFFFFFF  }
0xc2: {  	_ =	task.clear_ibuf [dreg:s7], $0x2FFFF;
	_ =	strace $0x9FFFFFFF  }
0xc3: {  	(tm) =	ssettm $0x7FFFFFFF  }
tec
execute0_lowered:
.L_overlay_start_1:
0x0: {  	(tag) =	ssettag $0x1  }
0x1: {  	s4 =	rddreg [dreg:$0x0]  }
0x2: {  	s0 =	srdreg.scid;
	s5 =	rddreg [dreg:$0x1]  }
0x3: {  	s2 =	rddreg [dreg:$0x2];
	s6 =	sand.u32 $0x1, s0  }
0x4: {  	s0 =	stileid.u32;
	s7 =	smul.u32 $0x14000, s6  }
0x5: {  	s1 =	rddreg [dreg:$0x3];
	s8 =	smul.u32 $0x1400, s0  }
0x6: {  	s3 =	simm.s32 $0x0;
	s11 =	simm.s32 $0x0;
	s9 =	smul.u32 $0x280, s0  }
0x7: {  	[smem:$0x7FF] =	sst s3;
	s10 =	smul.u32 $0x2800, s6;
	s6 =	ssub.s32 $0x2, s6  }
0x8: {  	_ =	strace $0x80000047;
	s31 =	sshrl.u32 s6, $0x1;
	s7 =	sadd.s32 s8, s7  }
0x9: {  	s30 =	sadd.s32 s9, s10;
	s6 =	ssub.s32 s6, s31;
	s10 =	simm.s32 $0x80  }
0xa: {  	s7 =	sshrl.u32 s7, $0x3;
	s8 =	sshrl.u32 s30, $0x3;
	s6 =	smax.u32 s6, $0x1  }
0xb: {  	s7 =	sadd.s32 s7, s4;
	s4 =	sadd.s32 s9, s2;
	s5 =	sadd.s32 s5, s8  }
0xc: {  	v0 =	vimm.f32 $1.000000000e+00;
	v1 =	vimm.f32 $0.0e+00;
	s8 =	simm.s32 $0x100;
	s9 =	simm.s32 $0x1;
	s7 =	sadd.s32 $0x6600, s7  }
.LBB2_1:
0xd: {  	[tilespmem:$0x80] =	vst v0  }
0xe: {  	[tilespmem:$0x90] =	vst v0  }
0xf: {  	[tilespmem:$0xA0] =	vst v0  }
0x10: {  	[tilespmem:$0xB0] =	vst v0  }
0x11: {  	[tilespmem:$0xC0] =	vst v0  }
0x12: {  	[tilespmem:$0xD0] =	vst v0  }
0x13: {  	[tilespmem:$0xE0] =	vst v0  }
0x14: {  	[tilespmem:$0xF0] =	vst v0  }
0x15: {  	[tilespmem:$0x100] =	vst v1  }
0x16: {  	[tilespmem:$0x110] =	vst v1  }
0x17: {  	[tilespmem:$0x120] =	vst v1  }
0x18: {  	[tilespmem:$0x130] =	vst v1  }
0x19: {  	[tilespmem:$0x140] =	vst v1  }
0x1a: {  	[tilespmem:$0x150] =	vst v1  }
0x1b: {  	[tilespmem:$0x160] =	vst v1  }
0x1c: {  	[tilespmem:$0x170] =	vst v1  }
0x1d: {  	[tilespmem:$0x180] =	vst v1  }
0x1e: {  	[tilespmem:$0x190] =	vst v1  }
0x1f: {  	[tilespmem:$0x1A0] =	vst v1  }
0x20: {  	[tilespmem:$0x1B0] =	vst v1  }
0x21: {  	[tilespmem:$0x1C0] =	vst v1  }
0x22: {  	[tilespmem:$0x1D0] =	vst v1  }
0x23: {  	[tilespmem:$0x1E0] =	vst v1  }
0x24: {  	[tilespmem:$0x1F0] =	vst v1  }
0x25: {  	[tilespmem:$0x200] =	vst v1  }
0x26: {  	[tilespmem:$0x210] =	vst v1  }
0x27: {  	[tilespmem:$0x220] =	vst v1  }
0x28: {  	[tilespmem:$0x230] =	vst v1  }
0x29: {  	[tilespmem:$0x240] =	vst v1  }
0x2a: {  	[tilespmem:$0x250] =	vst v1  }
0x2b: {  	[tilespmem:$0x260] =	vst v1  }
0x2c: {  	[tilespmem:$0x270] =	vst v1  }
0x2d: {  	[tilespmem:$0x280] =	vst v1  }
0x2e: {  	[tilespmem:$0x290] =	vst v1  }
0x2f: {  	[tilespmem:$0x2A0] =	vst v1  }
0x30: {  	[tilespmem:$0x2B0] =	vst v1  }
0x31: {  	[tilespmem:$0x2C0] =	vst v1  }
0x32: {  	[tilespmem:$0x2D0] =	vst v1  }
0x33: {  	[tilespmem:$0x2E0] =	vst v1  }
0x34: {  	[tilespmem:$0x2F0] =	vst v1  }
0x35: {  	[tilespmem:$0x300] =	vst v1  }
0x36: {  	[tilespmem:$0x310] =	vst v1  }
0x37: {  	[tilespmem:$0x320] =	vst v1  }
0x38: {  	[tilespmem:$0x330] =	vst v1  }
0x39: {  	[tilespmem:$0x340] =	vst v1  }
0x3a: {  	[tilespmem:$0x350] =	vst v1  }
0x3b: {  	[tilespmem:$0x360] =	vst v1  }
0x3c: {  	[tilespmem:$0x370] =	vst v1  }
0x3d: {  	[spmem:s4] =	stream.linear.scatter [tilespmem:s8], [sflag:$0x1], $0x280, $0x38;
	[tilespmem:$0x600] =	vst v63  }
0x3e: {  	_ =	swait.ge [sflag:s9], $0x280  }
0x3f: {  	[sflag:s9] =	ssyncset.done $0x0  }
0x40: {  	[sflag:s9] =	ssyncadd.s32 $0xFFFFFD80  }
0x41: {  	s12 =	sadd.s32 $0x0, s7;
	[bflag:$0x0] =	sbarrier.arrive $0xFFFF  }
0x42: {  	[tilespmem:s3], [sflag:$0x1] =	stream.linear.gather [hbm4b:s12+s3], $0x80, $0x38;
	[tilespmem:$0x600] =	vst v63  }
0x43: {  	_ =	swait.ge [sflag:s9], $0x80  }
0x44: {  	[sflag:s9] =	ssyncset.done $0x0  }
0x45: {  	[sflag:s9] =	ssyncadd.s32 $0xFFFFFF80  }
0x46: {  	[spmem:s2] =	stream.indirect.scatter.add.f32 [tilespmem:s10], [sflag:$0x1], $0x1, s3, s10, $0xb8;
	[tilespmem:$0x600] =	vst v63  }
0x47: {  	_ =	swait.ge [sflag:s9], $0x80  }
0x48: {  	s13 =	simm.s32 $0x20;
	s12 =	simm.s32 $0x10;
	[sflag:s9] =	ssyncset.done $0x0  }
.LBB2_2:
0x49: {  	s14 =	sadd.s32 s12, s7  }
0x4a: {  	[sflag:s9] =	ssyncadd.s32 $0xFFFFFF80;
	s12 =	smov.u32 s13;
	s15 =	sadd.s32 $0x10, s13  }
0x4b: {  	[tilespmem:s3], [sflag:$0x1] =	stream.linear.gather [hbm4b:s14+s3], $0x80, $0x38;
	[tilespmem:$0x600] =	vst v63  }
0x4c: {  	p0 =	sne.s32 s13, $0x270;
	_ =	swait.ge [sflag:s9], $0x80  }
.Ltmp0:
0x4d: {  	[sflag:s9] =	ssyncset.done $0x0;
	(pc) =	sbr.rel @p0 .LBB2_2-.Ltmp0, $4  }
0x4e: {  	[sflag:s9] =	ssyncadd.s32 $0xFFFFFF80  }
0x4f: {  	[spmem:s2] =	stream.indirect.scatter.add.f32 [tilespmem:s10], [sflag:$0x1], $0x1, s3, s10, $0xb8;
	[tilespmem:$0x600] =	vst v63  }
0x50: {  	_ =	swait.ge [sflag:s9], $0x80  }
0x51: {  	s13 =	smov.u32 s15;
	[sflag:s9] =	ssyncset.done $0x0  }
0x52: {  	s12 =	sadd.s32 s12, s7;
	[sflag:s9] =	ssyncadd.s32 $0xFFFFFF80  }
0x53: {  	[tilespmem:s3], [sflag:$0x1] =	stream.linear.gather [hbm4b:s12+s3], $0x80, $0x38;
	[tilespmem:$0x600] =	vst v63  }
0x54: {  	_ =	swait.ge [sflag:s9], $0x80  }
0x55: {  	[sflag:s9] =	ssyncset.done $0x0  }
0x56: {  	[sflag:s9] =	ssyncadd.s32 $0xFFFFFF80  }
0x57: {  	[spmem:s2] =	stream.indirect.scatter.add.f32 [tilespmem:s10], [sflag:$0x1], $0x1, s3, s10, $0xb8;
	[tilespmem:$0x600] =	vst v63  }
0x58: {  	_ =	swait.ge [sflag:s9], $0x80  }
0x59: {  	[sflag:s9] =	ssyncset.done $0x0  }
0x5a: {  	[sflag:s9] =	ssyncadd.s32 $0xFFFFFF80  }
0x5b: {  	[bflag:$0x0] =	sbarrier.arrive $0xFFFF  }
0x5c: {  	[tilespmem:s8], [sflag:$0x1] =	stream.linear.gather [spmem:s4], $0x280, $0x38;
	[tilespmem:$0x600] =	vst v63  }
0x5d: {  	s11 =	sadd.s32 $0x1, s11;
	_ =	swait.ge [sflag:s9], $0x280  }
0x5e: {  	p0 =	sne.s32 s11, s6;
	[sflag:s9] =	ssyncset.done $0x0  }
.Ltmp1:
0x5f: {  	[sflag:s9] =	ssyncadd.s32 $0xFFFFFD80;
	(pc) =	sbr.rel @p0 .LBB2_1-.Ltmp1, $4  }
0x60: {  	[hbm4b:s5+s3] =	stream.linear.scatter [tilespmem:s8], [sflag:$0x1], $0x280, $0x38;
	[tilespmem:$0x600] =	vst v63  }
0x61: {  	_ =	swait.ge [sflag:s9], $0x280  }
0x62: {  	[sflag:s9] =	ssyncset.done $0x0  }
0x63: {  	[sflag:s9] =	ssyncadd.s32 $0xFFFFFD80  }
0x64: {  	_ =	sfence.sel $0x180000  }
0x65: {  	[bflag:$0x0] =	sbarrier.arrive $0xFFFF  }
0x66: {  	p0 =	sne.s32 s0, $0x0;
	_ =	strace $0x90000047  }
0x67: {  	s0 =	sadd.s32 @!p0 $0x100000, s1;
	[bflag:$0x2] =	sbarrier.arrive $0xFFFF  }
0x68: {  	[sflag:s0] =	ssyncadd.tile.s32 @!p0 $0x1;
	_ =	shalt  }
.Lfunc_end2:
_tile_overlayer_lowered:
.L_overlay_start_2:
0x69: {  	(tag) =	ssettag $0x2  }
0x6a: {  	s0 =	rddreg [dreg:$0x0];
	s2 =	stileid.u32  }
0x6b: {  	s1 =	rddreg [dreg:$0x1];
	p0 =	sne.s32 s2, $0x0  }
0x6c: {  	s3 =	rddreg [dreg:$0x2];
	[bflag:$0x3] =	sbarrier.arrive $0xFFFF;
	s2 =	simm.s32 @!p0 $0x1C01  }
0x6d: {  	[timem:s3], [sflag:s2] =	dma.local @!p0 [hbm:s0], s1  }
0x6e: {  	s0 =	simm.s32 @!p0 $0x1  }
0x6f: {  	_ =	swait.ge @!p0 [sflag:s0], s1  }
0x70: {  	s1 =	ssub.s32 @!p0 $0x0, s1;
	[sflag:s0] =	ssyncset.done @!p0 $0x0  }
0x71: {  	[sflag:s0] =	ssyncadd.s32 @!p0 s1  }
0x72: {  	[bflag:$0x3] =	sbarrier.arrive $0xFFFF  }
0x73: {  	_ =	shalt  }

// kernel: kernel.13.cloned.1.call-start
scs
__scs_entry_jumppad:
0x0: {  	(pc) =	sbr.rel $0x88, $3  }
0x1: {  	(tag) =	ssettag $0x0;
	lr =	simm.s32 $0x1  }
0x2: {  	[smem:$0x3F99] =	sst lr;
	_ =	strace $0xD0000000  }
0x3: {  	_ = 	snop  }
0x4: {  	_ = 	snop  }
0x5: {  	_ = 	snop  }
0x6: {  	_ = 	snop  }
0x7: {  	_ = 	snop  }
__scs_overlays_trampoline_lowered:
0x8: {  	[smem:$0x3FA8] =	sst s0  }
0x9: {  	[smem:$0x3FA9] =	sst s1  }
0xa: {  	[smem:$0x3FAA] =	sst s2  }
0xb: {  	[smem:$0x3FAB] =	sst s3  }
0xc: {  	[smem:$0x3FAC] =	sst s4  }
0xd: {  	[smem:$0x3FAD] =	sst s5  }
0xe: {  	[smem:$0x3FAE] =	sst s6  }
0xf: {  	[smem:$0x3FAF] =	sst s7  }
0x10: {  	[smem:$0x3FB0] =	sst s8  }
0x11: {  	[smem:$0x3FB1] =	sst s9;
	s0 =	simm.s32 @!p0 $0x0  }
0x12: {  	s1 =	sld [smem:$0x3F97];
	s0 =	simm.s32 @p0 $0x1  }
0x13: {  	[smem:$0x3FB2] =	sst s0;
	s0 =	simm.s32 @!p1 $0x0  }
0x14: {  	s2 =	sld [smem:$0x3F96];
	s0 =	simm.s32 @p1 $0x1  }
0x15: {  	[smem:$0x3FB3] =	sst s0;
	s0 =	simm.s32 @!p2 $0x0  }
0x16: {  	s3 =	sld [smem:$0x3FDB];
	s0 =	simm.s32 @p2 $0x1  }
0x17: {  	s4 =	simm.s32 $0x1BF5;
	[smem:$0x3FB5] =	sst s0  }
0x18: {  	s0 =	sld [smem:$0x3F98];
	_ =	swait.ge [sflag:s4], $0x0  }
0x19: {  	s7 =	sld [smem:$0x3F99]  }
0x1a: {  	s8 =	sadd.s32 $0xFFFFE003, lr  }
0x1b: {  	s9 =	sadd.s32 $0xFFFFFEF7, lr;
	s5 =	simm.s32 $0xFFFFFFFF;
	p2 =	slt.u32 s8, $0xFFFFF086  }
0x1c: {  	p1 =	slt.u32 s9, $0xF7A;
	s5 =	simm.s32 @!p2 $0x0  }
0x1d: {  	s5 =	simm.s32 @p1 $0x1;
	p0 =	seq.s32 s7, s2  }
0x1e: {  	s7 =	smul.u32 @!p0 $0xF7A, s2;
	p2 =	seq.s32 @!p0 s5, $0x0  }
0x1f: {  	s9 =	smul.u32 $0xF7A, s1;
	s8 =	simm.s32 @!p0 $0x1BF5;
	p2 =	por !p2, p0  }
0x20: {  	[sflag:s8] =	ssyncset.s32 @!p0 $0xFFFFF086;
	s6 =	sadd.s32 @!p0 s3, s7;
	s7 =	simm.s32 @!p0 $0x108  }
0x21: {  	s3 =	sadd.s32 s3, s9;
	s6 =	sadd.s32 @!p0 $0x88, s6;
	s7 =	simm.s32 @p2 $0x1082  }
0x22: {  	[simem:s7], [sflag:s8] =	dma.local @!p0 [hbm:s6], $0xF7A  }
0x23: {  	s9 =	sor.u32 $0xD0000000, s2;
	s6 =	simm.s32 $0x108;
	_ =	swait.ge @!p0 [sflag:s8], $0x0  }
0x24: {  	s3 =	sadd.s32 $0x88, s3;
	s6 =	simm.s32 @!p1 $0x1082;
	[sflag:s4] =	ssyncset.s32 $0xFFFFF086  }
0x25: {  	[simem:s6], [sflag:s4] =	dma.local [hbm:s3], $0xF7A  }
0x26: {  	[smem:$0x3F99] =	sst s1;
	(tag) =	ssettag s2;
	_ =	strace s9  }
0x27: {  	s1 =	sld [smem:$0x3FA9]  }
0x28: {  	s2 =	sld [smem:$0x3FAA]  }
0x29: {  	s4 =	sld [smem:$0x3FAC]  }
0x2a: {  	p0 =	seq.s32 s5, $0x0;
	s5 =	sld [smem:$0x3FAD]  }
0x2b: {  	s6 =	sld [smem:$0x3FAE]  }
0x2c: {  	s7 =	sld [smem:$0x3FAF]  }
0x2d: {  	s3 =	simm.s32 $0x108;
	s8 =	sld [smem:$0x3FB0]  }
0x2e: {  	s3 =	simm.s32 @!p0 $0x1082;
	s9 =	sld [smem:$0x3FB1]  }
0x2f: {  	lr =	sadd.s32 s0, s3;
	s0 =	sld [smem:$0x3FA8]  }
0x30: {  	s3 =	sld [smem:$0x3FAB]  }
0x31: {  	[smem:$0x3FB4] =	sst s10  }
0x32: {  	s10 =	sld [smem:$0x3FB2];
	_ =	sdelay $0x3  }
0x33: {  	p0 =	seq.s32 s10, $0x1;
	s10 =	sld [smem:$0x3FB4];
	_ =	sdelay $0x3  }
0x34: {  	[smem:$0x3FB4] =	sst s10  }
0x35: {  	s10 =	sld [smem:$0x3FB3];
	_ =	sdelay $0x3  }
0x36: {  	p1 =	seq.s32 s10, $0x1;
	s10 =	sld [smem:$0x3FB4];
	_ =	sdelay $0x3  }
0x37: {  	[smem:$0x3FB4] =	sst s10  }
0x38: {  	s10 =	sld [smem:$0x3FB5]  }
0x39: {  	_ = 	snop;
	(pc) =	sbr.ind lr, $3  }
0x3a: {  	_ = 	snop  }
0x3b: {  	_ = 	snop  }
0x3c: {  	p2 =	seq.s32 s10, $0x1;
	s10 =	sld [smem:$0x3FB4]  }
0x3d: {  	_ =	shalt  }
0x3e: {  	_ =	shalt  }
0x3f: {  	_ =	shalt  }
0x40: {  	_ =	shalt  }
0x41: {  	_ =	shalt  }
0x42: {  	_ =	shalt  }
0x43: {  	_ =	shalt  }
0x44: {  	_ =	shalt  }
0x45: {  	_ =	shalt  }
0x46: {  	_ =	shalt  }
0x47: {  	_ =	shalt  }
0x48: {  	_ =	shalt  }
0x49: {  	_ =	shalt  }
0x4a: {  	_ =	shalt  }
0x4b: {  	_ =	shalt  }
0x4c: {  	_ =	shalt  }
0x4d: {  	_ =	shalt  }
0x4e: {  	_ =	shalt  }
0x4f: {  	_ =	shalt  }
0x50: {  	_ =	shalt  }
0x51: {  	_ =	shalt  }
0x52: {  	_ =	shalt  }
0x53: {  	_ =	shalt  }
0x54: {  	_ =	shalt  }
0x55: {  	_ =	shalt  }
0x56: {  	_ =	shalt  }
0x57: {  	_ =	shalt  }
0x58: {  	_ =	shalt  }
0x59: {  	_ =	shalt  }
0x5a: {  	_ =	shalt  }
0x5b: {  	_ =	shalt  }
0x5c: {  	_ =	shalt  }
0x5d: {  	_ =	shalt  }
0x5e: {  	_ =	shalt  }
0x5f: {  	_ =	shalt  }
0x60: {  	_ =	shalt  }
0x61: {  	_ =	shalt  }
0x62: {  	_ =	shalt  }
0x63: {  	_ =	shalt  }
0x64: {  	_ =	shalt  }
0x65: {  	_ =	shalt  }
0x66: {  	_ =	shalt  }
0x67: {  	_ =	shalt  }
0x68: {  	_ =	shalt  }
0x69: {  	_ =	shalt  }
0x6a: {  	_ =	shalt  }
0x6b: {  	_ =	shalt  }
0x6c: {  	_ =	shalt  }
0x6d: {  	_ =	shalt  }
0x6e: {  	_ =	shalt  }
0x6f: {  	_ =	shalt  }
0x70: {  	_ =	shalt  }
0x71: {  	_ =	shalt  }
0x72: {  	_ =	shalt  }
0x73: {  	_ =	shalt  }
0x74: {  	_ =	shalt  }
0x75: {  	_ =	shalt  }
0x76: {  	_ =	shalt  }
0x77: {  	_ =	shalt  }
0x78: {  	_ =	shalt  }
0x79: {  	_ =	shalt  }
0x7a: {  	_ =	shalt  }
0x7b: {  	_ =	shalt  }
0x7c: {  	_ =	shalt  }
0x7d: {  	_ =	shalt  }
0x7e: {  	_ =	shalt  }
0x7f: {  	_ =	shalt  }
0x80: {  	_ =	shalt  }
0x81: {  	_ =	shalt  }
0x82: {  	_ =	shalt  }
0x83: {  	_ =	shalt  }
0x84: {  	_ =	shalt  }
0x85: {  	_ =	shalt  }
0x86: {  	_ =	shalt  }
0x87: {  	_ =	shalt  }
.Lfunc_end0:
.L_simem_size_0:
called_computation.1_lowered:
.L_overlay_start_0:
0x88: {  	s2 =	sld [smem:$0x3FD9]  }
0x89: {  	s3 =	sld [smem:$0x3FFE];
	_ =	sdelay $0x1  }
0x8a: {  	s1 =	srdreg.scid  }
0x8b: {  	s0 =	sand.u32 $0x1, s1  }
0x8c: {  	s16 =	sshll.u32 s0, $0xA;
	s2 =	sadd.s32 s3, s2  }
0x8d: {  	s2 =	sadd.s32 s2, s16  }
0x8e: {  	[smem:$0x3FC0] =	sst s2  }
0x8f: {  	_ = 	snop  }
0x90: {  	(tm) =	ssettm $0x1  }
0x91: {  	s17 =	sld [smem:$0x3FFB];
	_ =	sdelay $0x3  }
0x92: {  	_ =	strace s17  }
0x93: {  	s2 =	sld [smem:$0x3FFC];
	_ =	sdelay $0x3  }
0x94: {  	_ =	strace s2  }
0x95: {  	s2 =	sld [smem:$0x3FFD];
	_ =	sdelay $0x3  }
0x96: {  	_ =	strace s2  }
0x97: {  	_ =	strace $0x8FFFFFFF  }
0x98: {  	s18 =	sld [smem:$0x3FDB];
	_ =	sdelay $0x1  }
0x99: {  	s19 =	simm.s32 $_scs_section_size  }
0x9a: {  	s4 =	simm.s32 $_size__tile_overlayer_lowered;
	s5 =	simm.s32 $_tile_overlayer_lowered  }
0x9b: {  	s22 =	simm.s32 $0x1BFF;
	s21 =	sshll.u32 s5, $0x1;
	s2 =	sadd.s32 s19, s18  }
0x9c: {  	s6 =	simm.s32 $0x0;
	s20 =	sshll.u32 s4, $0x1;
	s4 =	sadd.s32 s21, s2  }
0x9d: {  	[timem:s6], [sflag:s22] =	dma.local [hbm:s4], s20  }
0x9e: {  	_ =	swait.ge [sflag:s22], s20  }
0x9f: {  	s3 =	ssub.s32 $0x0, s20;
	[sflag:s22] =	ssyncset.done $0x0  }
0xa0: {  	[sflag:s22] =	ssyncadd.s32 s3;
	_ =	sdelay $0x1  }
0xa1: {  	s23 =	simm.s32 $0x1B8B  }
0xa2: {  	_ =	swait.ge [sflag:s23], $0x1  }
0xa3: {  	[sflag:s23] =	ssyncset.done $0x0  }
0xa4: {  	s25 =	simm.s32 $0x1B8E;
	s24 =	sld [smem:$0x3FFE];
	[sflag:s23] =	ssyncadd.s32 $0xFFFFFFFF  }
0xa5: {  	s26 =	simm.s32 $execute0_lowered;
	[smem:$0x3FD2] =	sst s25  }
0xa6: {  	s4 =	sshll.u32 s26, $0x1;
	_ =	strace $0x80000049;
	[dreg:$0x1] =	wrdreg $0xFFFFFFFF  }
0xa7: {  	s28 =	simm.s32 $_size_execute0_lowered;
	s2 =	sadd.s32 s2, s4;
	[dreg:$0x0] =	wrdreg $0x0  }
0xa8: {  	s4 =	sshll.u32 s28, $0x1;
	[dreg:$0x2] =	wrdreg s2  }
0xa9: {  	[dreg:$0x3] =	wrdreg s4  }
0xaa: {  	[dreg:$0x4] =	wrdreg $0xC0  }
0xab: {  	_ =	task [dreg:s6], $0x5FFFF  }
0xac: {  	[dreg:$0x1] =	wrdreg $0xFFFFFFFF  }
0xad: {  	[dreg:$0x0] =	wrdreg $0x60  }
0xae: {  	[dreg:$0x2] =	wrdreg s24  }
0xaf: {  	[dreg:$0x3] =	wrdreg $0x61000  }
0xb0: {  	[dreg:$0x4] =	wrdreg $0x9  }
0xb1: {  	_ =	task.clear_ibuf [dreg:s6], $0x5FFFF;
	_ =	strace $0x90000049  }
0xb2: {  	s29 =	simm.s32 $0x9;
	_ =	strace $0x8000004B  }
0xb3: {  	_ =	swait.ge [sflag:s29], $0x1  }
0xb4: {  	[sflag:s29] =	ssyncadd.s32 $0xFFFFFFFF  }
0xb5: {  	_ =	strace $0x9000004B  }
0xb6: {  	_ =	sfence  }
0xb7: {  	s30 =	sld [smem:$0x0];
	_ =	sdelay $0x2  }
0xb8: {  	s31 =	sshll.u32 s1, $0xD;
	s1 =	sshrl.u32 s1, $0x2  }
0xb9: {  	s3 =	sand.u32 $0x4000, s31;
	s1 =	sadd.s32 s1, s30  }
0xba: {  	s0 =	sor.u32 s3, s0;
	s1 =	sshll.u32 s1, $0x11  }
0xbb: {  	s0 =	sor.u32 s1, s0  }
0xbc: {  	s0 =	sadd.s32 $0x8F2B, s0  }
0xbd: {  	[sflag:s0] =	ssyncadd.remote.s32 $0x1  }
0xbe: {  	_ =	sfence.sel $0xFFFF  }
0xbf: {  	[dreg:$0x0] =	wrdreg $0xFFFFFFFF;
	(pc) =	sbr.abs _section_cstart, $3  }
0xc0: {  	[dreg:$0x1] =	wrdreg $0xFFFFFFFF  }
0xc1: {  	_ =	task.clear_ibuf [dreg:s6], $0x2FFFF;
	_ =	strace $0x9FFFFFFF  }
0xc2: {  	(tm) =	ssettm $0x7FFFFFFF  }
0xc3: {  	_ =	shalt  }
tec
execute0_lowered:
.L_overlay_start_1:
0x0: {  	(tag) =	ssettag $0x1  }
0x1: {  	s5 =	rddreg [dreg:$0x0]  }
0x2: {  	s2 =	rddreg [dreg:$0x1]  }
0x3: {  	s0 =	srdreg.scid;
	s1 =	rddreg [dreg:$0x2]  }
0x4: {  	s3 =	simm.s32 $0x0;
	s11 =	simm.s32 $0x2;
	s6 =	sand.u32 $0x1, s0  }
0x5: {  	s12 =	simm.s32 $0x80;
	s0 =	stileid.u32;
	s7 =	smul.u32 $0x14000, s6  }
0x6: {  	s13 =	simm.s32 $0x100;
	s14 =	simm.s32 $0x1;
	s8 =	smul.u32 $0x1400, s0  }
0x7: {  	s15 =	simm.s32 $0x0;
	[smem:$0x7FF] =	sst s3;
	s9 =	smul.u32 $0x5000, s0  }
0x8: {  	s4 =	sadd.s32 $0xB600, s5;
	s10 =	smul.u32 $0x50000, s6;
	s6 =	ssub.s32 $0x2, s6  }
0x9: {  	_ =	strace $0x8000004A;
	s30 =	sshrl.u32 s6, $0x1;
	s7 =	sadd.s32 s8, s7  }
0xa: {  	s26 =	sadd.s32 s9, s10;
	s31 =	ssub.s32 s6, s30;
	s7 =	sshrl.u32 s7, $0x3  }
0xb: {  	s10 =	simm.s32 $0x1100;
	s8 =	sshrl.u32 s26, $0x3;
	s28 =	sadd.s32 s7, s5  }
0xc: {  	s29 =	sadd.s32 s8, s5;
	s5 =	sadd.s32 s9, s2;
	s7 =	smax.u32 s31, $0x1  }
0xd: {  	v0 =	vimm.f32 $0.0e+00;
	s6 =	sadd.s32 $0x15600, s29;
	s8 =	sadd.s32 $0x6600, s28;
	s9 =	sadd.s32 $0x1600, s28  }
.LBB2_1:
0xe: {  	s16 =	simm.s32 $0x1;
	[tilespmem:s10+$0x0] =	vst v0;
	s17 =	simm.s32 $0x1100  }
.LBB2_2:
0xf: {  	p0 =	sne.s32 s16, $0x4FF  }
.Ltmp0:
0x10: {  	_ = 	snop;
	(pc) =	sbr.rel @p0 .LBB2_2-.Ltmp0, $3  }
0x11: {  	_ =	sdelay $0x1  }
0x12: {  	s16 =	sadd.s32 $0x1, s16;
	s17 =	sadd.s32 $0x10, s17  }
0x13: {  	[tilespmem:s17+$0x0] =	vst v0  }
0x14: {  	[spmem:s5] =	stream.linear.scatter [tilespmem:s10], [sflag:$0x2], $0x5000, $0x38;
	[tilespmem:$0xB100] =	vst v63  }
0x15: {  	_ =	swait.ge [sflag:s11], $0x5000  }
0x16: {  	[sflag:s11] =	ssyncset.done $0x0  }
0x17: {  	[sflag:s11] =	ssyncadd.s32 $0xFFFFB000  }
0x18: {  	s16 =	sadd.s32 $0x0, s9;
	[bflag:$0x0] =	sbarrier.arrive $0xFFFF  }
0x19: {  	[tilespmem:s3], [sflag:$0x2] =	stream.linear.gather [hbm4b:s16+s3], $0x80, $0x38;
	[tilespmem:$0xB100] =	vst v63  }
0x1a: {  	_ =	swait.ge [sflag:s11], $0x80  }
0x1b: {  	[sflag:s11] =	ssyncset.done $0x0  }
0x1c: {  	s31 =	sadd.s32 $0x0, s8;
	[sflag:s11] =	ssyncadd.s32 $0xFFFFFF80  }
0x1d: {  	[tilespmem:s12], [sflag:$0x2] =	stream.linear.gather [hbm4b:s31+s3], $0x80, $0x38;
	[tilespmem:$0xB100] =	vst v63  }
0x1e: {  	_ =	swait.ge [sflag:s11], $0x80  }
0x1f: {  	[sflag:s11] =	ssyncset.done $0x0  }
0x20: {  	[sflag:s11] =	ssyncadd.s32 $0xFFFFFF80  }
0x21: {  	[tilespmem:s13], [sflag:$0x1] =	stream.indirect.gather [hbm4b:s4+s12], $0x20, s3, s12, $0xb8;
	[tilespmem:$0xB100] =	vst v63  }
0x22: {  	_ =	swait.ge [sflag:s14], $0x1000  }
0x23: {  	[sflag:s14] =	ssyncset.done $0x0  }
0x24: {  	[sflag:s14] =	ssyncadd.s32 $0xFFFFF000  }
0x25: {  	[spmem:s2] =	stream.indirect.scatter.add.f32 [tilespmem:s13], [sflag:$0x2], $0x20, s12, s12, $0xb8;
	[tilespmem:$0xB100] =	vst v63  }
0x26: {  	_ =	swait.ge [sflag:s11], $0x1000  }
0x27: {  	s17 =	simm.s32 $0x20;
	s16 =	simm.s32 $0x10;
	[sflag:s11] =	ssyncset.done $0x0  }
.LBB2_4:
0x28: {  	s18 =	sadd.s32 s16, s9  }
0x29: {  	[sflag:s11] =	ssyncadd.s32 $0xFFFFF000;
	s19 =	smov.u32 s17;
	s20 =	sadd.s32 $0x10, s17  }
0x2a: {  	[tilespmem:s3], [sflag:$0x2] =	stream.linear.gather [hbm4b:s18+s3], $0x80, $0x38;
	[tilespmem:$0xB100] =	vst v63  }
0x2b: {  	p0 =	sne.s32 s17, $0x270;
	_ =	swait.ge [sflag:s11], $0x80  }
0x2c: {  	[sflag:s11] =	ssyncset.done $0x0  }
0x2d: {  	s17 =	sadd.s32 s16, s8;
	s16 =	smov.u32 s19;
	[sflag:s11] =	ssyncadd.s32 $0xFFFFFF80  }
0x2e: {  	[tilespmem:s12], [sflag:$0x2] =	stream.linear.gather [hbm4b:s17+s3], $0x80, $0x38;
	[tilespmem:$0xB100] =	vst v63  }
0x2f: {  	_ =	swait.ge [sflag:s11], $0x80  }
0x30: {  	[sflag:s11] =	ssyncset.done $0x0  }
0x31: {  	[sflag:s11] =	ssyncadd.s32 $0xFFFFFF80  }
0x32: {  	[tilespmem:s13], [sflag:$0x1] =	stream.indirect.gather [hbm4b:s4+s12], $0x20, s3, s12, $0xb8;
	[tilespmem:$0xB100] =	vst v63  }
0x33: {  	_ =	swait.ge [sflag:s14], $0x1000  }
.Ltmp1:
0x34: {  	[sflag:s14] =	ssyncset.done $0x0;
	(pc) =	sbr.rel @p0 .LBB2_4-.Ltmp1, $4  }
0x35: {  	[sflag:s14] =	ssyncadd.s32 $0xFFFFF000  }
0x36: {  	[spmem:s2] =	stream.indirect.scatter.add.f32 [tilespmem:s13], [sflag:$0x2], $0x20, s12, s12, $0xb8;
	[tilespmem:$0xB100] =	vst v63  }
0x37: {  	_ =	swait.ge [sflag:s11], $0x1000  }
0x38: {  	s17 =	smov.u32 s20;
	[sflag:s11] =	ssyncset.done $0x0  }
0x39: {  	s17 =	sadd.s32 s16, s9;
	[sflag:s11] =	ssyncadd.s32 $0xFFFFF000  }
0x3a: {  	[tilespmem:s3], [sflag:$0x2] =	stream.linear.gather [hbm4b:s17+s3], $0x80, $0x38;
	[tilespmem:$0xB100] =	vst v63  }
0x3b: {  	_ =	swait.ge [sflag:s11], $0x80  }
0x3c: {  	[sflag:s11] =	ssyncset.done $0x0  }
0x3d: {  	s31 =	sadd.s32 s16, s8;
	[sflag:s11] =	ssyncadd.s32 $0xFFFFFF80  }
0x3e: {  	[tilespmem:s12], [sflag:$0x2] =	stream.linear.gather [hbm4b:s31+s3], $0x80, $0x38;
	[tilespmem:$0xB100] =	vst v63  }
0x3f: {  	_ =	swait.ge [sflag:s11], $0x80  }
0x40: {  	[sflag:s11] =	ssyncset.done $0x0  }
0x41: {  	[sflag:s11] =	ssyncadd.s32 $0xFFFFFF80  }
0x42: {  	[tilespmem:s13], [sflag:$0x1] =	stream.indirect.gather [hbm4b:s4+s12], $0x20, s3, s12, $0xb8;
	[tilespmem:$0xB100] =	vst v63  }
0x43: {  	_ =	swait.ge [sflag:s14], $0x1000  }
0x44: {  	[sflag:s14] =	ssyncset.done $0x0  }
0x45: {  	[sflag:s14] =	ssyncadd.s32 $0xFFFFF000  }
0x46: {  	[spmem:s2] =	stream.indirect.scatter.add.f32 [tilespmem:s13], [sflag:$0x2], $0x20, s12, s12, $0xb8;
	[tilespmem:$0xB100] =	vst v63  }
0x47: {  	_ =	swait.ge [sflag:s11], $0x1000  }
0x48: {  	[sflag:s11] =	ssyncset.done $0x0  }
0x49: {  	[sflag:s11] =	ssyncadd.s32 $0xFFFFF000  }
0x4a: {  	[bflag:$0x0] =	sbarrier.arrive $0xFFFF  }
0x4b: {  	[tilespmem:s10], [sflag:$0x2] =	stream.linear.gather [spmem:s5], $0x5000, $0x38;
	[tilespmem:$0xB100] =	vst v63  }
0x4c: {  	s15 =	sadd.s32 $0x1, s15;
	_ =	swait.ge [sflag:s11], $0x5000  }
0x4d: {  	p0 =	sne.s32 s15, s7;
	[sflag:s11] =	ssyncset.done $0x0  }
.Ltmp2:
0x4e: {  	[sflag:s11] =	ssyncadd.s32 $0xFFFFB000;
	(pc) =	sbr.rel @p0 .LBB2_1-.Ltmp2, $4  }
0x4f: {  	[hbm4b:s6+s3] =	stream.linear.scatter [tilespmem:s10], [sflag:$0x2], $0x5000, $0x38;
	[tilespmem:$0xB100] =	vst v63  }
0x50: {  	_ =	swait.ge [sflag:s11], $0x5000  }
0x51: {  	[sflag:s11] =	ssyncset.done $0x0  }
0x52: {  	[sflag:s11] =	ssyncadd.s32 $0xFFFFB000  }
0x53: {  	_ =	sfence.sel $0x180000  }
0x54: {  	[bflag:$0x0] =	sbarrier.arrive $0xFFFF  }
0x55: {  	p0 =	sne.s32 s0, $0x0;
	_ =	strace $0x9000004A  }
0x56: {  	s0 =	sadd.s32 @!p0 $0x100000, s1;
	[bflag:$0x2] =	sbarrier.arrive $0xFFFF  }
0x57: {  	[sflag:s0] =	ssyncadd.tile.s32 @!p0 $0x1;
	_ =	shalt  }
.Lfunc_end2:
_tile_overlayer_lowered:
.L_overlay_start_2:
0x58: {  	(tag) =	ssettag $0x2  }
0x59: {  	s0 =	rddreg [dreg:$0x0];
	s2 =	stileid.u32  }
0x5a: {  	s1 =	rddreg [dreg:$0x1];
	p0 =	sne.s32 s2, $0x0  }
0x5b: {  	s3 =	rddreg [dreg:$0x2];
	[bflag:$0x3] =	sbarrier.arrive $0xFFFF;
	s2 =	simm.s32 @!p0 $0x1C02  }
0x5c: {  	[timem:s3], [sflag:s2] =	dma.local @!p0 [hbm:s0], s1  }
0x5d: {  	s0 =	simm.s32 @!p0 $0x2  }
0x5e: {  	_ =	swait.ge @!p0 [sflag:s0], s1  }
0x5f: {  	s1 =	ssub.s32 @!p0 $0x0, s1;
	[sflag:s0] =	ssyncset.done @!p0 $0x0  }
0x60: {  	[sflag:s0] =	ssyncadd.s32 @!p0 s1  }
0x61: {  	[bflag:$0x3] =	sbarrier.arrive $0xFFFF  }
0x62: {  	_ =	shalt  }

// kernel: kernel.16.cloned.1.call-start
scs
__scs_entry_jumppad:
0x0: {  	(pc) =	sbr.rel $0x88, $3  }
0x1: {  	(tag) =	ssettag $0x0;
	lr =	simm.s32 $0x1  }
0x2: {  	[smem:$0x3F99] =	sst lr;
	_ =	strace $0xD0000000  }
0x3: {  	_ = 	snop  }
0x4: {  	_ = 	snop  }
0x5: {  	_ = 	snop  }
0x6: {  	_ = 	snop  }
0x7: {  	_ = 	snop  }
__scs_overlays_trampoline_lowered:
0x8: {  	[smem:$0x3FA8] =	sst s0  }
0x9: {  	[smem:$0x3FA9] =	sst s1  }
0xa: {  	[smem:$0x3FAA] =	sst s2  }
0xb: {  	[smem:$0x3FAB] =	sst s3  }
0xc: {  	[smem:$0x3FAC] =	sst s4  }
0xd: {  	[smem:$0x3FAD] =	sst s5  }
0xe: {  	[smem:$0x3FAE] =	sst s6  }
0xf: {  	[smem:$0x3FAF] =	sst s7  }
0x10: {  	[smem:$0x3FB0] =	sst s8  }
0x11: {  	[smem:$0x3FB1] =	sst s9;
	s0 =	simm.s32 @!p0 $0x0  }
0x12: {  	s1 =	sld [smem:$0x3F97];
	s0 =	simm.s32 @p0 $0x1  }
0x13: {  	[smem:$0x3FB2] =	sst s0;
	s0 =	simm.s32 @!p1 $0x0  }
0x14: {  	s2 =	sld [smem:$0x3F96];
	s0 =	simm.s32 @p1 $0x1  }
0x15: {  	[smem:$0x3FB3] =	sst s0;
	s0 =	simm.s32 @!p2 $0x0  }
0x16: {  	s3 =	sld [smem:$0x3FDB];
	s0 =	simm.s32 @p2 $0x1  }
0x17: {  	s4 =	simm.s32 $0x1BF5;
	[smem:$0x3FB5] =	sst s0  }
0x18: {  	s0 =	sld [smem:$0x3F98];
	_ =	swait.ge [sflag:s4], $0x0  }
0x19: {  	s7 =	sld [smem:$0x3F99]  }
0x1a: {  	s8 =	sadd.s32 $0xFFFFE003, lr  }
0x1b: {  	s9 =	sadd.s32 $0xFFFFFEF7, lr;
	s5 =	simm.s32 $0xFFFFFFFF;
	p2 =	slt.u32 s8, $0xFFFFF086  }
0x1c: {  	p1 =	slt.u32 s9, $0xF7A;
	s5 =	simm.s32 @!p2 $0x0  }
0x1d: {  	s5 =	simm.s32 @p1 $0x1;
	p0 =	seq.s32 s7, s2  }
0x1e: {  	s7 =	smul.u32 @!p0 $0xF7A, s2;
	p2 =	seq.s32 @!p0 s5, $0x0  }
0x1f: {  	s9 =	smul.u32 $0xF7A, s1;
	s8 =	simm.s32 @!p0 $0x1BF5;
	p2 =	por !p2, p0  }
0x20: {  	[sflag:s8] =	ssyncset.s32 @!p0 $0xFFFFF086;
	s6 =	sadd.s32 @!p0 s3, s7;
	s7 =	simm.s32 @!p0 $0x108  }
0x21: {  	s3 =	sadd.s32 s3, s9;
	s6 =	sadd.s32 @!p0 $0x88, s6;
	s7 =	simm.s32 @p2 $0x1082  }
0x22: {  	[simem:s7], [sflag:s8] =	dma.local @!p0 [hbm:s6], $0xF7A  }
0x23: {  	s9 =	sor.u32 $0xD0000000, s2;
	s6 =	simm.s32 $0x108;
	_ =	swait.ge @!p0 [sflag:s8], $0x0  }
0x24: {  	s3 =	sadd.s32 $0x88, s3;
	s6 =	simm.s32 @!p1 $0x1082;
	[sflag:s4] =	ssyncset.s32 $0xFFFFF086  }
0x25: {  	[simem:s6], [sflag:s4] =	dma.local [hbm:s3], $0xF7A  }
0x26: {  	[smem:$0x3F99] =	sst s1;
	(tag) =	ssettag s2;
	_ =	strace s9  }
0x27: {  	s1 =	sld [smem:$0x3FA9]  }
0x28: {  	s2 =	sld [smem:$0x3FAA]  }
0x29: {  	s4 =	sld [smem:$0x3FAC]  }
0x2a: {  	p0 =	seq.s32 s5, $0x0;
	s5 =	sld [smem:$0x3FAD]  }
0x2b: {  	s6 =	sld [smem:$0x3FAE]  }
0x2c: {  	s7 =	sld [smem:$0x3FAF]  }
0x2d: {  	s3 =	simm.s32 $0x108;
	s8 =	sld [smem:$0x3FB0]  }
0x2e: {  	s3 =	simm.s32 @!p0 $0x1082;
	s9 =	sld [smem:$0x3FB1]  }
0x2f: {  	lr =	sadd.s32 s0, s3;
	s0 =	sld [smem:$0x3FA8]  }
0x30: {  	s3 =	sld [smem:$0x3FAB]  }
0x31: {  	[smem:$0x3FB4] =	sst s10  }
0x32: {  	s10 =	sld [smem:$0x3FB2];
	_ =	sdelay $0x3  }
0x33: {  	p0 =	seq.s32 s10, $0x1;
	s10 =	sld [smem:$0x3FB4];
	_ =	sdelay $0x3  }
0x34: {  	[smem:$0x3FB4] =	sst s10  }
0x35: {  	s10 =	sld [smem:$0x3FB3];
	_ =	sdelay $0x3  }
0x36: {  	p1 =	seq.s32 s10, $0x1;
	s10 =	sld [smem:$0x3FB4];
	_ =	sdelay $0x3  }
0x37: {  	[smem:$0x3FB4] =	sst s10  }
0x38: {  	s10 =	sld [smem:$0x3FB5]  }
0x39: {  	_ = 	snop;
	(pc) =	sbr.ind lr, $3  }
0x3a: {  	_ = 	snop  }
0x3b: {  	_ = 	snop  }
0x3c: {  	p2 =	seq.s32 s10, $0x1;
	s10 =	sld [smem:$0x3FB4]  }
0x3d: {  	_ =	shalt  }
0x3e: {  	_ =	shalt  }
0x3f: {  	_ =	shalt  }
0x40: {  	_ =	shalt  }
0x41: {  	_ =	shalt  }
0x42: {  	_ =	shalt  }
0x43: {  	_ =	shalt  }
0x44: {  	_ =	shalt  }
0x45: {  	_ =	shalt  }
0x46: {  	_ =	shalt  }
0x47: {  	_ =	shalt  }
0x48: {  	_ =	shalt  }
0x49: {  	_ =	shalt  }
0x4a: {  	_ =	shalt  }
0x4b: {  	_ =	shalt  }
0x4c: {  	_ =	shalt  }
0x4d: {  	_ =	shalt  }
0x4e: {  	_ =	shalt  }
0x4f: {  	_ =	shalt  }
0x50: {  	_ =	shalt  }
0x51: {  	_ =	shalt  }
0x52: {  	_ =	shalt  }
0x53: {  	_ =	shalt  }
0x54: {  	_ =	shalt  }
0x55: {  	_ =	shalt  }
0x56: {  	_ =	shalt  }
0x57: {  	_ =	shalt  }
0x58: {  	_ =	shalt  }
0x59: {  	_ =	shalt  }
0x5a: {  	_ =	shalt  }
0x5b: {  	_ =	shalt  }
0x5c: {  	_ =	shalt  }
0x5d: {  	_ =	shalt  }
0x5e: {  	_ =	shalt  }
0x5f: {  	_ =	shalt  }
0x60: {  	_ =	shalt  }
0x61: {  	_ =	shalt  }
0x62: {  	_ =	shalt  }
0x63: {  	_ =	shalt  }
0x64: {  	_ =	shalt  }
0x65: {  	_ =	shalt  }
0x66: {  	_ =	shalt  }
0x67: {  	_ =	shalt  }
0x68: {  	_ =	shalt  }
0x69: {  	_ =	shalt  }
0x6a: {  	_ =	shalt  }
0x6b: {  	_ =	shalt  }
0x6c: {  	_ =	shalt  }
0x6d: {  	_ =	shalt  }
0x6e: {  	_ =	shalt  }
0x6f: {  	_ =	shalt  }
0x70: {  	_ =	shalt  }
0x71: {  	_ =	shalt  }
0x72: {  	_ =	shalt  }
0x73: {  	_ =	shalt  }
0x74: {  	_ =	shalt  }
0x75: {  	_ =	shalt  }
0x76: {  	_ =	shalt  }
0x77: {  	_ =	shalt  }
0x78: {  	_ =	shalt  }
0x79: {  	_ =	shalt  }
0x7a: {  	_ =	shalt  }
0x7b: {  	_ =	shalt  }
0x7c: {  	_ =	shalt  }
0x7d: {  	_ =	shalt  }
0x7e: {  	_ =	shalt  }
0x7f: {  	_ =	shalt  }
0x80: {  	_ =	shalt  }
0x81: {  	_ =	shalt  }
0x82: {  	_ =	shalt  }
0x83: {  	_ =	shalt  }
0x84: {  	_ =	shalt  }
0x85: {  	_ =	shalt  }
0x86: {  	_ =	shalt  }
0x87: {  	_ =	shalt  }
.Lfunc_end0:
.L_simem_size_0:
called_computation.2_lowered:
.L_overlay_start_0:
0x88: {  	s2 =	sld [smem:$0x3FD9]  }
0x89: {  	s3 =	sld [smem:$0x3FFE];
	_ =	sdelay $0x1  }
0x8a: {  	s1 =	srdreg.scid  }
0x8b: {  	s0 =	sand.u32 $0x1, s1  }
0x8c: {  	s16 =	sshll.u32 s0, $0xA;
	s2 =	sadd.s32 s3, s2  }
0x8d: {  	s2 =	sadd.s32 s2, s16  }
0x8e: {  	[smem:$0x3FC0] =	sst s2  }
0x8f: {  	_ = 	snop  }
0x90: {  	(tm) =	ssettm $0x1  }
0x91: {  	s17 =	sld [smem:$0x3FFB];
	_ =	sdelay $0x3  }
0x92: {  	_ =	strace s17  }
0x93: {  	s2 =	sld [smem:$0x3FFC];
	_ =	sdelay $0x3  }
0x94: {  	_ =	strace s2  }
0x95: {  	s2 =	sld [smem:$0x3FFD];
	_ =	sdelay $0x3  }
0x96: {  	_ =	strace s2  }
0x97: {  	_ =	strace $0x8FFFFFFF  }
0x98: {  	s18 =	sld [smem:$0x3FDB];
	_ =	sdelay $0x1  }
0x99: {  	s19 =	simm.s32 $_scs_section_size  }
0x9a: {  	s4 =	simm.s32 $_size__tile_overlayer_lowered;
	s5 =	simm.s32 $_tile_overlayer_lowered  }
0x9b: {  	s22 =	simm.s32 $0x1BFF;
	s21 =	sshll.u32 s5, $0x1;
	s2 =	sadd.s32 s19, s18  }
0x9c: {  	s6 =	simm.s32 $0x0;
	s20 =	sshll.u32 s4, $0x1;
	s4 =	sadd.s32 s21, s2  }
0x9d: {  	[timem:s6], [sflag:s22] =	dma.local [hbm:s4], s20  }
0x9e: {  	_ =	swait.ge [sflag:s22], s20  }
0x9f: {  	s3 =	ssub.s32 $0x0, s20;
	[sflag:s22] =	ssyncset.done $0x0  }
0xa0: {  	[sflag:s22] =	ssyncadd.s32 s3;
	_ =	sdelay $0x1  }
0xa1: {  	s23 =	simm.s32 $0x1B8B  }
0xa2: {  	_ =	swait.ge [sflag:s23], $0x1  }
0xa3: {  	[sflag:s23] =	ssyncset.done $0x0  }
0xa4: {  	s25 =	simm.s32 $0x1B8E;
	s24 =	sld [smem:$0x3FFE];
	[sflag:s23] =	ssyncadd.s32 $0xFFFFFFFF  }
0xa5: {  	s26 =	simm.s32 $execute0_lowered;
	[smem:$0x3FD2] =	sst s25  }
0xa6: {  	s4 =	sshll.u32 s26, $0x1;
	_ =	strace $0x8000004C;
	[dreg:$0x1] =	wrdreg $0xFFFFFFFF  }
0xa7: {  	s28 =	simm.s32 $_size_execute0_lowered;
	s2 =	sadd.s32 s2, s4;
	[dreg:$0x0] =	wrdreg $0x0  }
0xa8: {  	s4 =	sshll.u32 s28, $0x1;
	[dreg:$0x2] =	wrdreg s2  }
0xa9: {  	[dreg:$0x3] =	wrdreg s4  }
0xaa: {  	[dreg:$0x4] =	wrdreg $0xC0  }
0xab: {  	_ =	task [dreg:s6], $0x5FFFF  }
0xac: {  	[dreg:$0x1] =	wrdreg $0xFFFFFFFF  }
0xad: {  	[dreg:$0x0] =	wrdreg $0x60  }
0xae: {  	[dreg:$0x2] =	wrdreg s24  }
0xaf: {  	[dreg:$0x3] =	wrdreg $0x31000  }
0xb0: {  	[dreg:$0x4] =	wrdreg $0x9  }
0xb1: {  	_ =	task.clear_ibuf [dreg:s6], $0x5FFFF;
	_ =	strace $0x9000004C  }
0xb2: {  	s29 =	simm.s32 $0x9;
	_ =	strace $0x8000004E  }
0xb3: {  	_ =	swait.ge [sflag:s29], $0x1  }
0xb4: {  	[sflag:s29] =	ssyncadd.s32 $0xFFFFFFFF  }
0xb5: {  	_ =	strace $0x9000004E  }
0xb6: {  	_ =	sfence  }
0xb7: {  	s30 =	sld [smem:$0x0];
	_ =	sdelay $0x2  }
0xb8: {  	s31 =	sshll.u32 s1, $0xD;
	s1 =	sshrl.u32 s1, $0x2  }
0xb9: {  	s3 =	sand.u32 $0x4000, s31;
	s1 =	sadd.s32 s1, s30  }
0xba: {  	s0 =	sor.u32 s3, s0;
	s1 =	sshll.u32 s1, $0x11  }
0xbb: {  	s0 =	sor.u32 s1, s0  }
0xbc: {  	s0 =	sadd.s32 $0x8F2B, s0  }
0xbd: {  	[sflag:s0] =	ssyncadd.remote.s32 $0x1  }
0xbe: {  	_ =	sfence.sel $0xFFFF  }
0xbf: {  	[dreg:$0x0] =	wrdreg $0xFFFFFFFF;
	(pc) =	sbr.abs _section_cstart, $3  }
0xc0: {  	[dreg:$0x1] =	wrdreg $0xFFFFFFFF  }
0xc1: {  	_ =	task.clear_ibuf [dreg:s6], $0x2FFFF;
	_ =	strace $0x9FFFFFFF  }
0xc2: {  	(tm) =	ssettm $0x7FFFFFFF  }
0xc3: {  	_ =	shalt  }
tec
execute0_lowered:
.L_overlay_start_1:
0x0: {  	(tag) =	ssettag $0x1  }
0x1: {  	s5 =	rddreg [dreg:$0x0]  }
0x2: {  	s2 =	rddreg [dreg:$0x1]  }
0x3: {  	s0 =	srdreg.scid;
	s1 =	rddreg [dreg:$0x2]  }
0x4: {  	s3 =	simm.s32 $0x0;
	s11 =	simm.s32 $0x2;
	s6 =	sand.u32 $0x1, s0  }
0x5: {  	s12 =	simm.s32 $0x80;
	s0 =	stileid.u32;
	s7 =	smul.u32 $0x14000, s6  }
0x6: {  	s13 =	simm.s32 $0x100;
	s14 =	simm.s32 $0x1;
	s8 =	smul.u32 $0x1400, s0  }
0x7: {  	s15 =	simm.s32 $0x0;
	[smem:$0x7FF] =	sst s3;
	s9 =	smul.u32 $0x2800, s0  }
0x8: {  	s4 =	sadd.s32 $0xB600, s5;
	s10 =	smul.u32 $0x28000, s6;
	s6 =	ssub.s32 $0x2, s6  }
0x9: {  	_ =	strace $0x8000004D;
	s30 =	sshrl.u32 s6, $0x1;
	s7 =	sadd.s32 s8, s7  }
0xa: {  	s26 =	sadd.s32 s9, s10;
	s31 =	ssub.s32 s6, s30;
	s7 =	sshrl.u32 s7, $0x3  }
0xb: {  	s10 =	simm.s32 $0x900;
	s8 =	sshrl.u32 s26, $0x3;
	s28 =	sadd.s32 s7, s5  }
0xc: {  	s29 =	sadd.s32 s8, s5;
	s5 =	sadd.s32 s9, s2;
	s7 =	smax.u32 s31, $0x1  }
0xd: {  	v0 =	vimm.f32 $0.0e+00;
	s6 =	sadd.s32 $0x10600, s29;
	s8 =	sadd.s32 $0x6600, s28;
	s9 =	sadd.s32 $0x1600, s28  }
.LBB2_1:
0xe: {  	s16 =	simm.s32 $0x40;
	s17 =	simm.s32 $0x0  }
.LBB2_2:
0xf: {  	p0 =	sne.s32 s16, $0x9FC0;
	[tilespmem:s17+$0x900] =	vst v0;
	s17 =	smov.u32 s16;
	s16 =	sadd.s32 $0x40, s16  }
.Ltmp0:
0x10: {  	(pc) =	sbr.rel @p0 .LBB2_2-.Ltmp0, $2  }
0x11: {  	_ =	sdelay $0x2  }
0x12: {  	s17 =	sshra.s32 s17, $0x2  }
0x13: {  	[tilespmem:s17+$0x900] =	vst v0  }
0x14: {  	[spmem:s5] =	stream.linear.scatter [tilespmem:s10], [sflag:$0x2], $0x2800, $0x38;
	[tilespmem:$0x5900] =	vst v63  }
0x15: {  	_ =	swait.ge [sflag:s11], $0x2800  }
0x16: {  	[sflag:s11] =	ssyncset.done $0x0  }
0x17: {  	[sflag:s11] =	ssyncadd.s32 $0xFFFFD800  }
0x18: {  	s16 =	sadd.s32 $0x0, s9;
	[bflag:$0x0] =	sbarrier.arrive $0xFFFF  }
0x19: {  	[tilespmem:s3], [sflag:$0x2] =	stream.linear.gather [hbm4b:s16+s3], $0x80, $0x38;
	[tilespmem:$0x5900] =	vst v63  }
0x1a: {  	_ =	swait.ge [sflag:s11], $0x80  }
0x1b: {  	[sflag:s11] =	ssyncset.done $0x0  }
0x1c: {  	s31 =	sadd.s32 $0x0, s8;
	[sflag:s11] =	ssyncadd.s32 $0xFFFFFF80  }
0x1d: {  	[tilespmem:s12], [sflag:$0x2] =	stream.linear.gather [hbm4b:s31+s3], $0x80, $0x38;
	[tilespmem:$0x5900] =	vst v63  }
0x1e: {  	_ =	swait.ge [sflag:s11], $0x80  }
0x1f: {  	[sflag:s11] =	ssyncset.done $0x0  }
0x20: {  	[sflag:s11] =	ssyncadd.s32 $0xFFFFFF80  }
0x21: {  	[tilespmem:s13], [sflag:$0x1] =	stream.indirect.gather [hbm4b:s4+s12], $0x10, s3, s12, $0xb8;
	[tilespmem:$0x5900] =	vst v63  }
0x22: {  	_ =	swait.ge [sflag:s14], $0x800  }
0x23: {  	[sflag:s14] =	ssyncset.done $0x0  }
0x24: {  	[sflag:s14] =	ssyncadd.s32 $0xFFFFF800  }
0x25: {  	[spmem:s2] =	stream.indirect.scatter.add.f32 [tilespmem:s13], [sflag:$0x2], $0x10, s12, s12, $0xb8;
	[tilespmem:$0x5900] =	vst v63  }
0x26: {  	_ =	swait.ge [sflag:s11], $0x800  }
0x27: {  	s17 =	simm.s32 $0x20;
	s16 =	simm.s32 $0x10;
	[sflag:s11] =	ssyncset.done $0x0  }
.LBB2_4:
0x28: {  	s18 =	sadd.s32 s16, s9  }
0x29: {  	[sflag:s11] =	ssyncadd.s32 $0xFFFFF800;
	s19 =	smov.u32 s17;
	s20 =	sadd.s32 $0x10, s17  }
0x2a: {  	[tilespmem:s3], [sflag:$0x2] =	stream.linear.gather [hbm4b:s18+s3], $0x80, $0x38;
	[tilespmem:$0x5900] =	vst v63  }
0x2b: {  	p0 =	sne.s32 s17, $0x270;
	_ =	swait.ge [sflag:s11], $0x80  }
0x2c: {  	[sflag:s11] =	ssyncset.done $0x0  }
0x2d: {  	s17 =	sadd.s32 s16, s8;
	s16 =	smov.u32 s19;
	[sflag:s11] =	ssyncadd.s32 $0xFFFFFF80  }
0x2e: {  	[tilespmem:s12], [sflag:$0x2] =	stream.linear.gather [hbm4b:s17+s3], $0x80, $0x38;
	[tilespmem:$0x5900] =	vst v63  }
0x2f: {  	_ =	swait.ge [sflag:s11], $0x80  }
0x30: {  	[sflag:s11] =	ssyncset.done $0x0  }
0x31: {  	[sflag:s11] =	ssyncadd.s32 $0xFFFFFF80  }
0x32: {  	[tilespmem:s13], [sflag:$0x1] =	stream.indirect.gather [hbm4b:s4+s12], $0x10, s3, s12, $0xb8;
	[tilespmem:$0x5900] =	vst v63  }
0x33: {  	_ =	swait.ge [sflag:s14], $0x800  }
.Ltmp1:
0x34: {  	[sflag:s14] =	ssyncset.done $0x0;
	(pc) =	sbr.rel @p0 .LBB2_4-.Ltmp1, $4  }
0x35: {  	[sflag:s14] =	ssyncadd.s32 $0xFFFFF800  }
0x36: {  	[spmem:s2] =	stream.indirect.scatter.add.f32 [tilespmem:s13], [sflag:$0x2], $0x10, s12, s12, $0xb8;
	[tilespmem:$0x5900] =	vst v63  }
0x37: {  	_ =	swait.ge [sflag:s11], $0x800  }
0x38: {  	s17 =	smov.u32 s20;
	[sflag:s11] =	ssyncset.done $0x0  }
0x39: {  	s17 =	sadd.s32 s16, s9;
	[sflag:s11] =	ssyncadd.s32 $0xFFFFF800  }
0x3a: {  	[tilespmem:s3], [sflag:$0x2] =	stream.linear.gather [hbm4b:s17+s3], $0x80, $0x38;
	[tilespmem:$0x5900] =	vst v63  }
0x3b: {  	_ =	swait.ge [sflag:s11], $0x80  }
0x3c: {  	[sflag:s11] =	ssyncset.done $0x0  }
0x3d: {  	s31 =	sadd.s32 s16, s8;
	[sflag:s11] =	ssyncadd.s32 $0xFFFFFF80  }
0x3e: {  	[tilespmem:s12], [sflag:$0x2] =	stream.linear.gather [hbm4b:s31+s3], $0x80, $0x38;
	[tilespmem:$0x5900] =	vst v63  }
0x3f: {  	_ =	swait.ge [sflag:s11], $0x80  }
0x40: {  	[sflag:s11] =	ssyncset.done $0x0  }
0x41: {  	[sflag:s11] =	ssyncadd.s32 $0xFFFFFF80  }
0x42: {  	[tilespmem:s13], [sflag:$0x1] =	stream.indirect.gather [hbm4b:s4+s12], $0x10, s3, s12, $0xb8;
	[tilespmem:$0x5900] =	vst v63  }
0x43: {  	_ =	swait.ge [sflag:s14], $0x800  }
0x44: {  	[sflag:s14] =	ssyncset.done $0x0  }
0x45: {  	[sflag:s14] =	ssyncadd.s32 $0xFFFFF800  }
0x46: {  	[spmem:s2] =	stream.indirect.scatter.add.f32 [tilespmem:s13], [sflag:$0x2], $0x10, s12, s12, $0xb8;
	[tilespmem:$0x5900] =	vst v63  }
0x47: {  	_ =	swait.ge [sflag:s11], $0x800  }
0x48: {  	[sflag:s11] =	ssyncset.done $0x0  }
0x49: {  	[sflag:s11] =	ssyncadd.s32 $0xFFFFF800  }
0x4a: {  	[bflag:$0x0] =	sbarrier.arrive $0xFFFF  }
0x4b: {  	[tilespmem:s10], [sflag:$0x2] =	stream.linear.gather [spmem:s5], $0x2800, $0x38;
	[tilespmem:$0x5900] =	vst v63  }
0x4c: {  	s15 =	sadd.s32 $0x1, s15;
	_ =	swait.ge [sflag:s11], $0x2800  }
0x4d: {  	p0 =	sne.s32 s15, s7;
	[sflag:s11] =	ssyncset.done $0x0  }
.Ltmp2:
0x4e: {  	[sflag:s11] =	ssyncadd.s32 $0xFFFFD800;
	(pc) =	sbr.rel @p0 .LBB2_1-.Ltmp2, $4  }
0x4f: {  	[hbm4b:s6+s3] =	stream.linear.scatter [tilespmem:s10], [sflag:$0x2], $0x2800, $0x38;
	[tilespmem:$0x5900] =	vst v63  }
0x50: {  	_ =	swait.ge [sflag:s11], $0x2800  }
0x51: {  	[sflag:s11] =	ssyncset.done $0x0  }
0x52: {  	[sflag:s11] =	ssyncadd.s32 $0xFFFFD800  }
0x53: {  	_ =	sfence.sel $0x180000  }
0x54: {  	[bflag:$0x0] =	sbarrier.arrive $0xFFFF  }
0x55: {  	p0 =	sne.s32 s0, $0x0;
	_ =	strace $0x9000004D  }
0x56: {  	s0 =	sadd.s32 @!p0 $0x100000, s1;
	[bflag:$0x2] =	sbarrier.arrive $0xFFFF  }
0x57: {  	[sflag:s0] =	ssyncadd.tile.s32 @!p0 $0x1;
	_ =	shalt  }
.Lfunc_end2:
_tile_overlayer_lowered:
.L_overlay_start_2:
0x58: {  	(tag) =	ssettag $0x2  }
0x59: {  	s0 =	rddreg [dreg:$0x0];
	s2 =	stileid.u32  }
0x5a: {  	s1 =	rddreg [dreg:$0x1];
	p0 =	sne.s32 s2, $0x0  }
0x5b: {  	s3 =	rddreg [dreg:$0x2];
	[bflag:$0x3] =	sbarrier.arrive $0xFFFF;
	s2 =	simm.s32 @!p0 $0x1C02  }
0x5c: {  	[timem:s3], [sflag:s2] =	dma.local @!p0 [hbm:s0], s1  }
0x5d: {  	s0 =	simm.s32 @!p0 $0x2  }
0x5e: {  	_ =	swait.ge @!p0 [sflag:s0], s1  }
0x5f: {  	s1 =	ssub.s32 @!p0 $0x0, s1;
	[sflag:s0] =	ssyncset.done @!p0 $0x0  }
0x60: {  	[sflag:s0] =	ssyncadd.s32 @!p0 s1  }
0x61: {  	[bflag:$0x3] =	sbarrier.arrive $0xFFFF  }
0x62: {  	_ =	shalt  }

// kernel: kernel.19.cloned.1.call-start
scs
__scs_entry_jumppad:
0x0: {  	(pc) =	sbr.rel $0x88, $3  }
0x1: {  	(tag) =	ssettag $0x0;
	lr =	simm.s32 $0x1  }
0x2: {  	[smem:$0x3F99] =	sst lr;
	_ =	strace $0xD0000000  }
0x3: {  	_ = 	snop  }
0x4: {  	_ = 	snop  }
0x5: {  	_ = 	snop  }
0x6: {  	_ = 	snop  }
0x7: {  	_ = 	snop  }
__scs_overlays_trampoline_lowered:
0x8: {  	[smem:$0x3FA8] =	sst s0  }
0x9: {  	[smem:$0x3FA9] =	sst s1  }
0xa: {  	[smem:$0x3FAA] =	sst s2  }
0xb: {  	[smem:$0x3FAB] =	sst s3  }
0xc: {  	[smem:$0x3FAC] =	sst s4  }
0xd: {  	[smem:$0x3FAD] =	sst s5  }
0xe: {  	[smem:$0x3FAE] =	sst s6  }
0xf: {  	[smem:$0x3FAF] =	sst s7  }
0x10: {  	[smem:$0x3FB0] =	sst s8  }
0x11: {  	[smem:$0x3FB1] =	sst s9;
	s0 =	simm.s32 @!p0 $0x0  }
0x12: {  	s1 =	sld [smem:$0x3F97];
	s0 =	simm.s32 @p0 $0x1  }
0x13: {  	[smem:$0x3FB2] =	sst s0;
	s0 =	simm.s32 @!p1 $0x0  }
0x14: {  	s2 =	sld [smem:$0x3F96];
	s0 =	simm.s32 @p1 $0x1  }
0x15: {  	[smem:$0x3FB3] =	sst s0;
	s0 =	simm.s32 @!p2 $0x0  }
0x16: {  	s3 =	sld [smem:$0x3FDB];
	s0 =	simm.s32 @p2 $0x1  }
0x17: {  	s4 =	simm.s32 $0x1BF5;
	[smem:$0x3FB5] =	sst s0  }
0x18: {  	s0 =	sld [smem:$0x3F98];
	_ =	swait.ge [sflag:s4], $0x0  }
0x19: {  	s7 =	sld [smem:$0x3F99]  }
0x1a: {  	s8 =	sadd.s32 $0xFFFFE003, lr  }
0x1b: {  	s9 =	sadd.s32 $0xFFFFFEF7, lr;
	s5 =	simm.s32 $0xFFFFFFFF;
	p2 =	slt.u32 s8, $0xFFFFF086  }
0x1c: {  	p1 =	slt.u32 s9, $0xF7A;
	s5 =	simm.s32 @!p2 $0x0  }
0x1d: {  	s5 =	simm.s32 @p1 $0x1;
	p0 =	seq.s32 s7, s2  }
0x1e: {  	s7 =	smul.u32 @!p0 $0xF7A, s2;
	p2 =	seq.s32 @!p0 s5, $0x0  }
0x1f: {  	s9 =	smul.u32 $0xF7A, s1;
	s8 =	simm.s32 @!p0 $0x1BF5;
	p2 =	por !p2, p0  }
0x20: {  	[sflag:s8] =	ssyncset.s32 @!p0 $0xFFFFF086;
	s6 =	sadd.s32 @!p0 s3, s7;
	s7 =	simm.s32 @!p0 $0x108  }
0x21: {  	s3 =	sadd.s32 s3, s9;
	s6 =	sadd.s32 @!p0 $0x88, s6;
	s7 =	simm.s32 @p2 $0x1082  }
0x22: {  	[simem:s7], [sflag:s8] =	dma.local @!p0 [hbm:s6], $0xF7A  }
0x23: {  	s9 =	sor.u32 $0xD0000000, s2;
	s6 =	simm.s32 $0x108;
	_ =	swait.ge @!p0 [sflag:s8], $0x0  }
0x24: {  	s3 =	sadd.s32 $0x88, s3;
	s6 =	simm.s32 @!p1 $0x1082;
	[sflag:s4] =	ssyncset.s32 $0xFFFFF086  }
0x25: {  	[simem:s6], [sflag:s4] =	dma.local [hbm:s3], $0xF7A  }
0x26: {  	[smem:$0x3F99] =	sst s1;
	(tag) =	ssettag s2;
	_ =	strace s9  }
0x27: {  	s1 =	sld [smem:$0x3FA9]  }
0x28: {  	s2 =	sld [smem:$0x3FAA]  }
0x29: {  	s4 =	sld [smem:$0x3FAC]  }
0x2a: {  	p0 =	seq.s32 s5, $0x0;
	s5 =	sld [smem:$0x3FAD]  }
0x2b: {  	s6 =	sld [smem:$0x3FAE]  }
0x2c: {  	s7 =	sld [smem:$0x3FAF]  }
0x2d: {  	s3 =	simm.s32 $0x108;
	s8 =	sld [smem:$0x3FB0]  }
0x2e: {  	s3 =	simm.s32 @!p0 $0x1082;
	s9 =	sld [smem:$0x3FB1]  }
0x2f: {  	lr =	sadd.s32 s0, s3;
	s0 =	sld [smem:$0x3FA8]  }
0x30: {  	s3 =	sld [smem:$0x3FAB]  }
0x31: {  	[smem:$0x3FB4] =	sst s10  }
0x32: {  	s10 =	sld [smem:$0x3FB2];
	_ =	sdelay $0x3  }
0x33: {  	p0 =	seq.s32 s10, $0x1;
	s10 =	sld [smem:$0x3FB4];
	_ =	sdelay $0x3  }
0x34: {  	[smem:$0x3FB4] =	sst s10  }
0x35: {  	s10 =	sld [smem:$0x3FB3];
	_ =	sdelay $0x3  }
0x36: {  	p1 =	seq.s32 s10, $0x1;
	s10 =	sld [smem:$0x3FB4];
	_ =	sdelay $0x3  }
0x37: {  	[smem:$0x3FB4] =	sst s10  }
0x38: {  	s10 =	sld [smem:$0x3FB5]  }
0x39: {  	_ = 	snop;
	(pc) =	sbr.ind lr, $3  }
0x3a: {  	_ = 	snop  }
0x3b: {  	_ = 	snop  }
0x3c: {  	p2 =	seq.s32 s10, $0x1;
	s10 =	sld [smem:$0x3FB4]  }
0x3d: {  	_ =	shalt  }
0x3e: {  	_ =	shalt  }
0x3f: {  	_ =	shalt  }
0x40: {  	_ =	shalt  }
0x41: {  	_ =	shalt  }
0x42: {  	_ =	shalt  }
0x43: {  	_ =	shalt  }
0x44: {  	_ =	shalt  }
0x45: {  	_ =	shalt  }
0x46: {  	_ =	shalt  }
0x47: {  	_ =	shalt  }
0x48: {  	_ =	shalt  }
0x49: {  	_ =	shalt  }
0x4a: {  	_ =	shalt  }
0x4b: {  	_ =	shalt  }
0x4c: {  	_ =	shalt  }
0x4d: {  	_ =	shalt  }
0x4e: {  	_ =	shalt  }
0x4f: {  	_ =	shalt  }
0x50: {  	_ =	shalt  }
0x51: {  	_ =	shalt  }
0x52: {  	_ =	shalt  }
0x53: {  	_ =	shalt  }
0x54: {  	_ =	shalt  }
0x55: {  	_ =	shalt  }
0x56: {  	_ =	shalt  }
0x57: {  	_ =	shalt  }
0x58: {  	_ =	shalt  }
0x59: {  	_ =	shalt  }
0x5a: {  	_ =	shalt  }
0x5b: {  	_ =	shalt  }
0x5c: {  	_ =	shalt  }
0x5d: {  	_ =	shalt  }
0x5e: {  	_ =	shalt  }
0x5f: {  	_ =	shalt  }
0x60: {  	_ =	shalt  }
0x61: {  	_ =	shalt  }
0x62: {  	_ =	shalt  }
0x63: {  	_ =	shalt  }
0x64: {  	_ =	shalt  }
0x65: {  	_ =	shalt  }
0x66: {  	_ =	shalt  }
0x67: {  	_ =	shalt  }
0x68: {  	_ =	shalt  }
0x69: {  	_ =	shalt  }
0x6a: {  	_ =	shalt  }
0x6b: {  	_ =	shalt  }
0x6c: {  	_ =	shalt  }
0x6d: {  	_ =	shalt  }
0x6e: {  	_ =	shalt  }
0x6f: {  	_ =	shalt  }
0x70: {  	_ =	shalt  }
0x71: {  	_ =	shalt  }
0x72: {  	_ =	shalt  }
0x73: {  	_ =	shalt  }
0x74: {  	_ =	shalt  }
0x75: {  	_ =	shalt  }
0x76: {  	_ =	shalt  }
0x77: {  	_ =	shalt  }
0x78: {  	_ =	shalt  }
0x79: {  	_ =	shalt  }
0x7a: {  	_ =	shalt  }
0x7b: {  	_ =	shalt  }
0x7c: {  	_ =	shalt  }
0x7d: {  	_ =	shalt  }
0x7e: {  	_ =	shalt  }
0x7f: {  	_ =	shalt  }
0x80: {  	_ =	shalt  }
0x81: {  	_ =	shalt  }
0x82: {  	_ =	shalt  }
0x83: {  	_ =	shalt  }
0x84: {  	_ =	shalt  }
0x85: {  	_ =	shalt  }
0x86: {  	_ =	shalt  }
0x87: {  	_ =	shalt  }
.Lfunc_end0:
.L_simem_size_0:
called_computation.3_lowered:
.L_overlay_start_0:
0x88: {  	s2 =	sld [smem:$0x3FD9]  }
0x89: {  	s3 =	sld [smem:$0x3FFE];
	_ =	sdelay $0x1  }
0x8a: {  	s1 =	srdreg.scid  }
0x8b: {  	s0 =	sand.u32 $0x1, s1  }
0x8c: {  	s16 =	sshll.u32 s0, $0xA;
	s2 =	sadd.s32 s3, s2  }
0x8d: {  	s2 =	sadd.s32 s2, s16  }
0x8e: {  	[smem:$0x3FC0] =	sst s2  }
0x8f: {  	_ = 	snop  }
0x90: {  	(tm) =	ssettm $0x1  }
0x91: {  	s17 =	sld [smem:$0x3FFB];
	_ =	sdelay $0x3  }
0x92: {  	_ =	strace s17  }
0x93: {  	s2 =	sld [smem:$0x3FFC];
	_ =	sdelay $0x3  }
0x94: {  	_ =	strace s2  }
0x95: {  	s2 =	sld [smem:$0x3FFD];
	_ =	sdelay $0x3  }
0x96: {  	_ =	strace s2  }
0x97: {  	_ =	strace $0x8FFFFFFF  }
0x98: {  	s18 =	sld [smem:$0x3FDB];
	_ =	sdelay $0x1  }
0x99: {  	s19 =	simm.s32 $_scs_section_size  }
0x9a: {  	s4 =	simm.s32 $_size__tile_overlayer_lowered;
	s5 =	simm.s32 $_tile_overlayer_lowered  }
0x9b: {  	s22 =	simm.s32 $0x1BFF;
	s21 =	sshll.u32 s5, $0x1;
	s2 =	sadd.s32 s19, s18  }
0x9c: {  	s6 =	simm.s32 $0x0;
	s20 =	sshll.u32 s4, $0x1;
	s4 =	sadd.s32 s21, s2  }
0x9d: {  	[timem:s6], [sflag:s22] =	dma.local [hbm:s4], s20  }
0x9e: {  	_ =	swait.ge [sflag:s22], s20  }
0x9f: {  	s3 =	ssub.s32 $0x0, s20;
	[sflag:s22] =	ssyncset.done $0x0  }
0xa0: {  	[sflag:s22] =	ssyncadd.s32 s3;
	_ =	sdelay $0x1  }
0xa1: {  	s23 =	simm.s32 $0x1B8B  }
0xa2: {  	_ =	swait.ge [sflag:s23], $0x1  }
0xa3: {  	[sflag:s23] =	ssyncset.done $0x0  }
0xa4: {  	s25 =	simm.s32 $0x1B8E;
	s24 =	sld [smem:$0x3FFE];
	[sflag:s23] =	ssyncadd.s32 $0xFFFFFFFF  }
0xa5: {  	s26 =	simm.s32 $execute0_lowered;
	[smem:$0x3FD2] =	sst s25  }
0xa6: {  	s4 =	sshll.u32 s26, $0x1;
	_ =	strace $0x8000004F;
	[dreg:$0x1] =	wrdreg $0xFFFFFFFF  }
0xa7: {  	s28 =	simm.s32 $_size_execute0_lowered;
	s2 =	sadd.s32 s2, s4;
	[dreg:$0x0] =	wrdreg $0x0  }
0xa8: {  	s4 =	sshll.u32 s28, $0x1;
	[dreg:$0x2] =	wrdreg s2  }
0xa9: {  	[dreg:$0x3] =	wrdreg s4  }
0xaa: {  	[dreg:$0x4] =	wrdreg $0xC0  }
0xab: {  	_ =	task [dreg:s6], $0x5FFFF  }
0xac: {  	[dreg:$0x1] =	wrdreg $0xFFFFFFFF  }
0xad: {  	[dreg:$0x0] =	wrdreg $0x60  }
0xae: {  	[dreg:$0x2] =	wrdreg s24  }
0xaf: {  	[dreg:$0x3] =	wrdreg $0x31000  }
0xb0: {  	[dreg:$0x4] =	wrdreg $0x9  }
0xb1: {  	_ =	task.clear_ibuf [dreg:s6], $0x5FFFF;
	_ =	strace $0x9000004F  }
0xb2: {  	s29 =	simm.s32 $0x9;
	_ =	strace $0x80000051  }
0xb3: {  	_ =	swait.ge [sflag:s29], $0x1  }
0xb4: {  	[sflag:s29] =	ssyncadd.s32 $0xFFFFFFFF  }
0xb5: {  	_ =	strace $0x90000051  }
0xb6: {  	_ =	sfence  }
0xb7: {  	s30 =	sld [smem:$0x0];
	_ =	sdelay $0x2  }
0xb8: {  	s31 =	sshll.u32 s1, $0xD;
	s1 =	sshrl.u32 s1, $0x2  }
0xb9: {  	s3 =	sand.u32 $0x4000, s31;
	s1 =	sadd.s32 s1, s30  }
0xba: {  	s0 =	sor.u32 s3, s0;
	s1 =	sshll.u32 s1, $0x11  }
0xbb: {  	s0 =	sor.u32 s1, s0  }
0xbc: {  	s0 =	sadd.s32 $0x8F2B, s0  }
0xbd: {  	[sflag:s0] =	ssyncadd.remote.s32 $0x1  }
0xbe: {  	_ =	sfence.sel $0xFFFF  }
0xbf: {  	[dreg:$0x0] =	wrdreg $0xFFFFFFFF;
	(pc) =	sbr.abs _section_cstart, $3  }
0xc0: {  	[dreg:$0x1] =	wrdreg $0xFFFFFFFF  }
0xc1: {  	_ =	task.clear_ibuf [dreg:s6], $0x2FFFF;
	_ =	strace $0x9FFFFFFF  }
0xc2: {  	(tm) =	ssettm $0x7FFFFFFF  }
0xc3: {  	_ =	shalt  }
tec
execute0_lowered:
.L_overlay_start_1:
0x0: {  	(tag) =	ssettag $0x1  }
0x1: {  	s5 =	rddreg [dreg:$0x0]  }
0x2: {  	s2 =	rddreg [dreg:$0x1]  }
0x3: {  	s0 =	srdreg.scid;
	s1 =	rddreg [dreg:$0x2]  }
0x4: {  	s3 =	simm.s32 $0x0;
	s11 =	simm.s32 $0x2;
	s6 =	sand.u32 $0x1, s0  }
0x5: {  	s12 =	simm.s32 $0x80;
	s0 =	stileid.u32;
	s7 =	smul.u32 $0x14000, s6  }
0x6: {  	s13 =	simm.s32 $0x100;
	s14 =	simm.s32 $0x1;
	s8 =	smul.u32 $0x1400, s0  }
0x7: {  	s15 =	simm.s32 $0x0;
	[smem:$0x7FF] =	sst s3;
	s9 =	smul.u32 $0x2800, s0  }
0x8: {  	s4 =	sadd.s32 $0xB600, s5;
	s10 =	smul.u32 $0x28000, s6;
	s6 =	ssub.s32 $0x2, s6  }
0x9: {  	_ =	strace $0x80000050;
	s30 =	sshrl.u32 s6, $0x1;
	s7 =	sadd.s32 s8, s7  }
0xa: {  	s26 =	sadd.s32 s9, s10;
	s31 =	ssub.s32 s6, s30;
	s7 =	sshrl.u32 s7, $0x3  }
0xb: {  	s10 =	simm.s32 $0x900;
	s8 =	sshrl.u32 s26, $0x3;
	s28 =	sadd.s32 s7, s5  }
0xc: {  	s29 =	sadd.s32 s8, s5;
	s5 =	sadd.s32 s9, s2;
	s7 =	smax.u32 s31, $0x1  }
0xd: {  	v0 =	vimm.f32 $0.0e+00;
	s6 =	sadd.s32 $0x10600, s29;
	s8 =	sadd.s32 $0x6600, s28;
	s9 =	sadd.s32 $0x1600, s28  }
.LBB2_1:
0xe: {  	s16 =	simm.s32 $0x40;
	s17 =	simm.s32 $0x0  }
.LBB2_2:
0xf: {  	p0 =	sne.s32 s16, $0x9FC0;
	[tilespmem:s17+$0x900] =	vst v0;
	s17 =	smov.u32 s16;
	s16 =	sadd.s32 $0x40, s16  }
.Ltmp0:
0x10: {  	(pc) =	sbr.rel @p0 .LBB2_2-.Ltmp0, $2  }
0x11: {  	_ =	sdelay $0x2  }
0x12: {  	s17 =	sshra.s32 s17, $0x2  }
0x13: {  	[tilespmem:s17+$0x900] =	vst v0  }
0x14: {  	[spmem:s5] =	stream.linear.scatter [tilespmem:s10], [sflag:$0x2], $0x2800, $0x38;
	[tilespmem:$0x5900] =	vst v63  }
0x15: {  	_ =	swait.ge [sflag:s11], $0x2800  }
0x16: {  	[sflag:s11] =	ssyncset.done $0x0  }
0x17: {  	[sflag:s11] =	ssyncadd.s32 $0xFFFFD800  }
0x18: {  	s16 =	sadd.s32 $0x0, s9;
	[bflag:$0x0] =	sbarrier.arrive $0xFFFF  }
0x19: {  	[tilespmem:s3], [sflag:$0x2] =	stream.linear.gather [hbm4b:s16+s3], $0x80, $0x38;
	[tilespmem:$0x5900] =	vst v63  }
0x1a: {  	_ =	swait.ge [sflag:s11], $0x80  }
0x1b: {  	[sflag:s11] =	ssyncset.done $0x0  }
0x1c: {  	s31 =	sadd.s32 $0x0, s8;
	[sflag:s11] =	ssyncadd.s32 $0xFFFFFF80  }
0x1d: {  	[tilespmem:s12], [sflag:$0x2] =	stream.linear.gather [hbm4b:s31+s3], $0x80, $0x38;
	[tilespmem:$0x5900] =	vst v63  }
0x1e: {  	_ =	swait.ge [sflag:s11], $0x80  }
0x1f: {  	[sflag:s11] =	ssyncset.done $0x0  }
0x20: {  	[sflag:s11] =	ssyncadd.s32 $0xFFFFFF80  }
0x21: {  	[tilespmem:s13], [sflag:$0x1] =	stream.indirect.gather [hbm4b:s4+s12], $0x10, s3, s12, $0xb8;
	[tilespmem:$0x5900] =	vst v63  }
0x22: {  	_ =	swait.ge [sflag:s14], $0x800  }
0x23: {  	[sflag:s14] =	ssyncset.done $0x0  }
0x24: {  	[sflag:s14] =	ssyncadd.s32 $0xFFFFF800  }
0x25: {  	[spmem:s2] =	stream.indirect.scatter.add.f32 [tilespmem:s13], [sflag:$0x2], $0x10, s12, s12, $0xb8;
	[tilespmem:$0x5900] =	vst v63  }
0x26: {  	_ =	swait.ge [sflag:s11], $0x800  }
0x27: {  	s17 =	simm.s32 $0x20;
	s16 =	simm.s32 $0x10;
	[sflag:s11] =	ssyncset.done $0x0  }
.LBB2_4:
0x28: {  	s18 =	sadd.s32 s16, s9  }
0x29: {  	[sflag:s11] =	ssyncadd.s32 $0xFFFFF800;
	s19 =	smov.u32 s17;
	s20 =	sadd.s32 $0x10, s17  }
0x2a: {  	[tilespmem:s3], [sflag:$0x2] =	stream.linear.gather [hbm4b:s18+s3], $0x80, $0x38;
	[tilespmem:$0x5900] =	vst v63  }
0x2b: {  	p0 =	sne.s32 s17, $0x270;
	_ =	swait.ge [sflag:s11], $0x80  }
0x2c: {  	[sflag:s11] =	ssyncset.done $0x0  }
0x2d: {  	s17 =	sadd.s32 s16, s8;
	s16 =	smov.u32 s19;
	[sflag:s11] =	ssyncadd.s32 $0xFFFFFF80  }
0x2e: {  	[tilespmem:s12], [sflag:$0x2] =	stream.linear.gather [hbm4b:s17+s3], $0x80, $0x38;
	[tilespmem:$0x5900] =	vst v63  }
0x2f: {  	_ =	swait.ge [sflag:s11], $0x80  }
0x30: {  	[sflag:s11] =	ssyncset.done $0x0  }
0x31: {  	[sflag:s11] =	ssyncadd.s32 $0xFFFFFF80  }
0x32: {  	[tilespmem:s13], [sflag:$0x1] =	stream.indirect.gather [hbm4b:s4+s12], $0x10, s3, s12, $0xb8;
	[tilespmem:$0x5900] =	vst v63  }
0x33: {  	_ =	swait.ge [sflag:s14], $0x800  }
.Ltmp1:
0x34: {  	[sflag:s14] =	ssyncset.done $0x0;
	(pc) =	sbr.rel @p0 .LBB2_4-.Ltmp1, $4  }
0x35: {  	[sflag:s14] =	ssyncadd.s32 $0xFFFFF800  }
0x36: {  	[spmem:s2] =	stream.indirect.scatter.add.f32 [tilespmem:s13], [sflag:$0x2], $0x10, s12, s12, $0xb8;
	[tilespmem:$0x5900] =	vst v63  }
0x37: {  	_ =	swait.ge [sflag:s11], $0x800  }
0x38: {  	s17 =	smov.u32 s20;
	[sflag:s11] =	ssyncset.done $0x0  }
0x39: {  	s17 =	sadd.s32 s16, s9;
	[sflag:s11] =	ssyncadd.s32 $0xFFFFF800  }
0x3a: {  	[tilespmem:s3], [sflag:$0x2] =	stream.linear.gather [hbm4b:s17+s3], $0x80, $0x38;
	[tilespmem:$0x5900] =	vst v63  }
0x3b: {  	_ =	swait.ge [sflag:s11], $0x80  }
0x3c: {  	[sflag:s11] =	ssyncset.done $0x0  }
0x3d: {  	s31 =	sadd.s32 s16, s8;
	[sflag:s11] =	ssyncadd.s32 $0xFFFFFF80  }
0x3e: {  	[tilespmem:s12], [sflag:$0x2] =	stream.linear.gather [hbm4b:s31+s3], $0x80, $0x38;
	[tilespmem:$0x5900] =	vst v63  }
0x3f: {  	_ =	swait.ge [sflag:s11], $0x80  }
0x40: {  	[sflag:s11] =	ssyncset.done $0x0  }
0x41: {  	[sflag:s11] =	ssyncadd.s32 $0xFFFFFF80  }
0x42: {  	[tilespmem:s13], [sflag:$0x1] =	stream.indirect.gather [hbm4b:s4+s12], $0x10, s3, s12, $0xb8;
	[tilespmem:$0x5900] =	vst v63  }
0x43: {  	_ =	swait.ge [sflag:s14], $0x800  }
0x44: {  	[sflag:s14] =	ssyncset.done $0x0  }
0x45: {  	[sflag:s14] =	ssyncadd.s32 $0xFFFFF800  }
0x46: {  	[spmem:s2] =	stream.indirect.scatter.add.f32 [tilespmem:s13], [sflag:$0x2], $0x10, s12, s12, $0xb8;
	[tilespmem:$0x5900] =	vst v63  }
0x47: {  	_ =	swait.ge [sflag:s11], $0x800  }
0x48: {  	[sflag:s11] =	ssyncset.done $0x0  }
0x49: {  	[sflag:s11] =	ssyncadd.s32 $0xFFFFF800  }
0x4a: {  	[bflag:$0x0] =	sbarrier.arrive $0xFFFF  }
0x4b: {  	[tilespmem:s10], [sflag:$0x2] =	stream.linear.gather [spmem:s5], $0x2800, $0x38;
	[tilespmem:$0x5900] =	vst v63  }
0x4c: {  	s15 =	sadd.s32 $0x1, s15;
	_ =	swait.ge [sflag:s11], $0x2800  }
0x4d: {  	p0 =	sne.s32 s15, s7;
	[sflag:s11] =	ssyncset.done $0x0  }
.Ltmp2:
0x4e: {  	[sflag:s11] =	ssyncadd.s32 $0xFFFFD800;
	(pc) =	sbr.rel @p0 .LBB2_1-.Ltmp2, $4  }
0x4f: {  	[hbm4b:s6+s3] =	stream.linear.scatter [tilespmem:s10], [sflag:$0x2], $0x2800, $0x38;
	[tilespmem:$0x5900] =	vst v63  }
0x50: {  	_ =	swait.ge [sflag:s11], $0x2800  }
0x51: {  	[sflag:s11] =	ssyncset.done $0x0  }
0x52: {  	[sflag:s11] =	ssyncadd.s32 $0xFFFFD800  }
0x53: {  	_ =	sfence.sel $0x180000  }
0x54: {  	[bflag:$0x0] =	sbarrier.arrive $0xFFFF  }
0x55: {  	p0 =	sne.s32 s0, $0x0;
	_ =	strace $0x90000050  }
0x56: {  	s0 =	sadd.s32 @!p0 $0x100000, s1;
	[bflag:$0x2] =	sbarrier.arrive $0xFFFF  }
0x57: {  	[sflag:s0] =	ssyncadd.tile.s32 @!p0 $0x1;
	_ =	shalt  }
.Lfunc_end2:
_tile_overlayer_lowered:
.L_overlay_start_2:
0x58: {  	(tag) =	ssettag $0x2  }
0x59: {  	s0 =	rddreg [dreg:$0x0];
	s2 =	stileid.u32  }
0x5a: {  	s1 =	rddreg [dreg:$0x1];
	p0 =	sne.s32 s2, $0x0  }
0x5b: {  	s3 =	rddreg [dreg:$0x2];
	[bflag:$0x3] =	sbarrier.arrive $0xFFFF;
	s2 =	simm.s32 @!p0 $0x1C02  }
0x5c: {  	[timem:s3], [sflag:s2] =	dma.local @!p0 [hbm:s0], s1  }
0x5d: {  	s0 =	simm.s32 @!p0 $0x2  }
0x5e: {  	_ =	swait.ge @!p0 [sflag:s0], s1  }
0x5f: {  	s1 =	ssub.s32 @!p0 $0x0, s1;
	[sflag:s0] =	ssyncset.done @!p0 $0x0  }
0x60: {  	[sflag:s0] =	ssyncadd.s32 @!p0 s1  }
0x61: {  	[bflag:$0x3] =	sbarrier.arrive $0xFFFF  }
0x62: {  	_ =	shalt  }

</sc_bundles>
